<compile_context>
chip_gen: v7x
topology: tpu7x:2x2x1
jax: 0.10.2.dev20260603
libtpu: 0.0.44.dev20260713+nightly
codegen_flags: <defaults>
</compile_context>

<pallas_src>
import functools
import math

import jax
import jax.numpy as jnp
from jax import lax
from jax.experimental import pallas as pl
from jax.experimental.pallas import tpu as pltpu
from jax.experimental.pallas import tpu_sc as plsc

D_MODEL = 64
SCALE = math.sqrt(D_MODEL)

_NC = 2
_NS = 16
_NW = _NC * _NS

N_BUF = 4
LEAD = 2
ROW_UNROLL = 4
L = 16


def _make_kernel(R, S):
    assert R % _NW == 0
    r_per_w = R // _NW
    assert r_per_w % N_BUF == 0 and r_per_w > N_BUF
    assert S % ROW_UNROLL == 0 and S % 8 == 0
    i_per_w = r_per_w * S

    mesh = plsc.VectorSubcoreMesh(core_axis_name="c", subcore_axis_name="s")

    @functools.partial(
        pl.kernel,
        mesh=mesh,
        out_type=jax.ShapeDtypeStruct((R, S, 2 * D_MODEL), jnp.float32),
        compiler_params=pltpu.CompilerParams(use_tc_tiling_on_sc=True),
        scratch_types=(
            [pltpu.VMEM((i_per_w,), jnp.int32)]
            + [pltpu.VMEM((S, 2 * D_MODEL), jnp.float32) for _ in range(N_BUF)]
            + [pltpu.SemaphoreType.DMA for _ in range(2 * N_BUF)]
        ),
    )
    def emb(x_hbm, tbl_hbm, out_hbm, x_all, *rest):
        gbuf = rest[:N_BUF]
        gsem = rest[N_BUF:2 * N_BUF]
        ssem = rest[2 * N_BUF:]

        wid = lax.axis_index("s") * _NC + lax.axis_index("c")
        rbase = wid * r_per_w

        def mk_gather(g, b):
            return pltpu.make_async_copy(
                tbl_hbm.at[x_all.at[pl.ds(g * S, S)]], gbuf[b], gsem[b])

        def mk_store(g, b):
            return pltpu.make_async_copy(
                gbuf[b], out_hbm.at[rbase + g], ssem[b])

        pltpu.sync_copy(x_hbm.at[pl.ds(wid * i_per_w, i_per_w)], x_all)
        for b in range(LEAD):
            mk_gather(b, b).start()

        def outer(i, carry):
            for b in range(N_BUF):
                g = i * N_BUF + b
                bb = (b + LEAD) % N_BUF

                @pl.when(g + LEAD < r_per_w)
                def _issue():
                    @pl.when(g >= LEAD)
                    def _drain():
                        mk_store(g - LEAD, bb).wait()
                    mk_gather(g + LEAD, bb).start()

                mk_gather(g, b).wait()

                buf = gbuf[b]

                def row_body(r, c):
                    for u in range(ROW_UNROLL):
                        rr = r * ROW_UNROLL + u
                        for c4 in range(D_MODEL // L):
                            sl = pl.ds(c4 * L, L)
                            buf[rr, sl] = buf[rr, sl] * SCALE
                    return c

                lax.fori_loop(0, S // ROW_UNROLL, row_body, 0)
                mk_store(g, b).start()
            return carry

        lax.fori_loop(0, r_per_w // N_BUF, outer, 0)
        for g in range(r_per_w - N_BUF, r_per_w):
            mk_store(g, g % N_BUF).wait()

    return emb


def kernel(x, table):
    R, S = x.shape
    flat_x = x.reshape(R * S)
    wide_tbl = jnp.zeros((table.shape[0], 2 * D_MODEL), table.dtype)
    wide_tbl = jax.lax.dynamic_update_slice(wide_tbl, table, (0, 0))
    padded = _make_kernel(R, S)(flat_x, wide_tbl)
    return padded[:, :, :D_MODEL]

# --- scband reference (transcript-rebuilt; emitter-appended) ---
"""Pipeline reference for scband-token-embedding-31808527794350 (READ-ONLY COPY).

The authoritative reference and input builder live on the scoring server;
editing this copy changes nothing except your own understanding.
"""

import jax, jax.numpy as jnp
import numpy as np
import math

VOCAB = 1000000
D_MODEL = 64

def setup_inputs(seed: int = 0) -> dict:
    key = jax.random.key(seed)
    k1, k2 = jax.random.split(key)
    x = jax.random.randint(k1, (4096, 200), 0, VOCAB, dtype=jnp.int64 if jax.config.jax_enable_x64 else jnp.int32)
    table = jax.random.normal(k2, (VOCAB, D_MODEL), dtype=jnp.float32)
    return {"x": x, "table": table}

def reference(x, table):
    # TokenEmbedding.forward: embedding lookup scaled by sqrt(d_model)
    emb = jnp.take(table, x, axis=0)
    return emb * math.sqrt(D_MODEL)

if __name__ == "__main__":
    import jax
    _d = setup_inputs()
    print(jax.jit(kernel)(*tuple(_d.values())))

</pallas_src>

<mosaic_0001>
#map = affine_map<(d0, d1) -> (0)>
#map1 = affine_map<(d0, d1) -> (0, 0)>
#map2 = affine_map<(d0, d1) -> (0, 0, 0)>
module attributes {stable_mosaic.version = 14 : i64} {
  func.func @emb(%arg0: i32, %arg1: i32, %arg2: memref<819200xi32, #tpu.memory_space<hbm>>, %arg3: memref<1000000x128xf32, #tpu.memory_space<hbm>>, %arg4: memref<4096x200x128xf32, #tpu.memory_space<hbm>>, %arg5: memref<25600xi32, #tpu.memory_space<vmem>>, %arg6: memref<200x128xf32, #tpu.memory_space<vmem>>, %arg7: memref<200x128xf32, #tpu.memory_space<vmem>>, %arg8: memref<200x128xf32, #tpu.memory_space<vmem>>, %arg9: memref<200x128xf32, #tpu.memory_space<vmem>>, %arg10: memref<!tpu.dma_semaphore, #tpu.memory_space<semaphore_mem>>, %arg11: memref<!tpu.dma_semaphore, #tpu.memory_space<semaphore_mem>>, %arg12: memref<!tpu.dma_semaphore, #tpu.memory_space<semaphore_mem>>, %arg13: memref<!tpu.dma_semaphore, #tpu.memory_space<semaphore_mem>>, %arg14: memref<!tpu.dma_semaphore, #tpu.memory_space<semaphore_mem>>, %arg15: memref<!tpu.dma_semaphore, #tpu.memory_space<semaphore_mem>>, %arg16: memref<!tpu.dma_semaphore, #tpu.memory_space<semaphore_mem>>, %arg17: memref<!tpu.dma_semaphore, #tpu.memory_space<semaphore_mem>>) attributes {dimension_semantics = [#tpu.dimension_semantics<core_parallel>, #tpu.dimension_semantics<subcore_parallel>], iteration_bounds = array<i64: 2, 16>, scalar_prefetch = 0 : i64, scratch_operands = 13 : i64, tpu.core_type = #tpu.core_type<sc_vector_subcore>, window_params = [{transform_indices = #map}, {transform_indices = #map1}, {transform_indices = #map2}]} {
    %mul3A = arith.constant 2 : i32
    %mul3A_0 = arith.muli %arg1, %mul3A : i32
    %add3A = arith.addi %mul3A_0, %arg0 : i32
    %mul3A_1 = arith.constant 128 : i32
    %mul3A_2 = arith.muli %add3A, %mul3A_1 : i32
    %mul3A_3 = arith.constant 25600 : i32
    %mul3A_4 = arith.muli %add3A, %mul3A_3 : i32
    "tpu.region"() ({
      %run_scoped3A = tpu.sem_alloc : memref<!tpu.dma_semaphore, #tpu.memory_space<semaphore_mem>>
      %dma_start3A_58 = tpu.memref_slice %arg2[%mul3A_4] : memref<819200xi32, #tpu.memory_space<hbm>> -> memref<25600xi32, #tpu.memory_space<hbm>>
      %dma_start3A_59 = tpu.memref_slice %arg2[%mul3A_4] : memref<819200xi32, #tpu.memory_space<hbm>> -> memref<25600xi32, #tpu.memory_space<hbm>>
      tpu.enqueue_dma source(%dma_start3A_59 : memref<25600xi32, #tpu.memory_space<hbm>>) target(%arg5 : memref<25600xi32, #tpu.memory_space<vmem>>) target_semaphore(%run_scoped3A : memref<!tpu.dma_semaphore, #tpu.memory_space<semaphore_mem>>)
      %dma_wait3A_60 = tpu.memref_slice %arg2[%mul3A_4] : memref<819200xi32, #tpu.memory_space<hbm>> -> memref<25600xi32, #tpu.memory_space<hbm>>
      %dma_wait3A_61 = tpu.memref_slice %arg2[%mul3A_4] : memref<819200xi32, #tpu.memory_space<hbm>> -> memref<25600xi32, #tpu.memory_space<hbm>>
      tpu.wait_dma2 semaphore(%run_scoped3A : memref<!tpu.dma_semaphore, #tpu.memory_space<semaphore_mem>>) src(%dma_wait3A_61 : memref<25600xi32, #tpu.memory_space<hbm>>) dst(%arg5 : memref<25600xi32, #tpu.memory_space<vmem>>)
      tpu.yield
    }) : () -> ()
    %dma_start3A = arith.constant 0 : i32
    %dma_start3A_5 = tpu.memref_slice %arg5[%dma_start3A] : memref<25600xi32, #tpu.memory_space<vmem>> -> memref<200xi32, #tpu.memory_space<vmem>>
    %dma_start3A_6 = arith.constant 0 : i32
    %dma_start3A_7 = arith.constant 0 : i32
    %dma_start3A_8 = tpu.memref_slice %arg3[%dma_start3A_6, %dma_start3A_7] : memref<1000000x128xf32, #tpu.memory_space<hbm>> -> memref<1000000x128xf32, #tpu.memory_space<hbm>>
    tpu.enqueue_indirect_dma source(%dma_start3A_8 : memref<1000000x128xf32, #tpu.memory_space<hbm>>) target(%arg6 : memref<200x128xf32, #tpu.memory_space<vmem>>) offsets(%dma_start3A_5 : memref<200xi32, #tpu.memory_space<vmem>>) semaphore(%arg10 : memref<!tpu.dma_semaphore, #tpu.memory_space<semaphore_mem>>)
    %dma_start3A_9 = arith.constant 200 : i32
    %dma_start3A_10 = tpu.memref_slice %arg5[%dma_start3A_9] : memref<25600xi32, #tpu.memory_space<vmem>> -> memref<200xi32, #tpu.memory_space<vmem>>
    %dma_start3A_11 = arith.constant 0 : i32
    %dma_start3A_12 = arith.constant 0 : i32
    %dma_start3A_13 = tpu.memref_slice %arg3[%dma_start3A_11, %dma_start3A_12] : memref<1000000x128xf32, #tpu.memory_space<hbm>> -> memref<1000000x128xf32, #tpu.memory_space<hbm>>
    tpu.enqueue_indirect_dma source(%dma_start3A_13 : memref<1000000x128xf32, #tpu.memory_space<hbm>>) target(%arg7 : memref<200x128xf32, #tpu.memory_space<vmem>>) offsets(%dma_start3A_10 : memref<200xi32, #tpu.memory_space<vmem>>) semaphore(%arg11 : memref<!tpu.dma_semaphore, #tpu.memory_space<semaphore_mem>>)
    %scan3A = arith.constant 0 : i32
    %scan3A_14 = arith.constant 0 : i32
    %scan3A_15 = arith.constant 32 : i32
    %scan3A_16 = arith.addi %scan3A_14, %scan3A_15 : i32
    %scan3A_17 = arith.constant 1 : i32
    scf.for %scan3A_58 = %scan3A_14 to %scan3A_16 step %scan3A_17  : i32 {
      %mul3A_59 = arith.constant 4 : i32
      %mul3A_60 = arith.muli %scan3A_58, %mul3A_59 : i32
      %add3A_61 = arith.constant 0 : i32
      %add3A_62 = arith.addi %mul3A_60, %add3A_61 : i32
      %add3A_63 = arith.constant 2 : i32
      %add3A_64 = arith.addi %add3A_62, %add3A_63 : i32
      %lt3A = arith.constant 128 : i32
      %lt3A_65 = arith.cmpi slt, %add3A_64, %lt3A : i32
      %convert_element_type3A = arith.extui %lt3A_65 : i1 to i32
      %cond3A = arith.constant 0 : i32
      %cond3A_66 = arith.cmpi ne, %convert_element_type3A, %cond3A : i32
      scf.if %cond3A_66 {
        %ge3A = arith.constant 2 : i32
        %ge3A_184 = arith.cmpi sge, %add3A_62, %ge3A : i32
        %convert_element_type3A_185 = arith.extui %ge3A_184 : i1 to i32
        %cond3A_186 = arith.constant 0 : i32
        %cond3A_187 = arith.cmpi ne, %convert_element_type3A_185, %cond3A_186 : i32
        scf.if %cond3A_187 {
          %sub3A = arith.constant 2 : i32
          %sub3A_196 = arith.subi %add3A_62, %sub3A : i32
          %add3A_197 = arith.addi %mul3A_2, %sub3A_196 : i32
          %dma_wait3A_198 = arith.constant 0 : i32
          %dma_wait3A_199 = arith.constant 0 : i32
          %dma_wait3A_200 = tpu.memref_slice %arg4[%add3A_197, %dma_wait3A_198, %dma_wait3A_199] : memref<4096x200x128xf32, #tpu.memory_space<hbm>> -> memref<1x200x128xf32, #tpu.memory_space<hbm>>
          %dma_wait3A_201 = tpu.memref_squeeze %dma_wait3A_200 : memref<1x200x128xf32, #tpu.memory_space<hbm>> -> memref<200x128xf32, #tpu.memory_space<hbm>>
          %dma_wait3A_202 = arith.constant 0 : i32
          %dma_wait3A_203 = arith.constant 0 : i32
          %dma_wait3A_204 = tpu.memref_slice %arg4[%add3A_197, %dma_wait3A_202, %dma_wait3A_203] : memref<4096x200x128xf32, #tpu.memory_space<hbm>> -> memref<1x200x128xf32, #tpu.memory_space<hbm>>
          %dma_wait3A_205 = tpu.memref_squeeze %dma_wait3A_204 : memref<1x200x128xf32, #tpu.memory_space<hbm>> -> memref<200x128xf32, #tpu.memory_space<hbm>>
          tpu.wait_dma2 semaphore(%arg16 : memref<!tpu.dma_semaphore, #tpu.memory_space<semaphore_mem>>) src(%arg8 : memref<200x128xf32, #tpu.memory_space<vmem>>) dst(%dma_wait3A_205 : memref<200x128xf32, #tpu.memory_space<hbm>>)
        } else {
        }
        %add3A_188 = arith.constant 2 : i32
        %add3A_189 = arith.addi %add3A_62, %add3A_188 : i32
        %mul3A_190 = arith.constant 200 : i32
        %mul3A_191 = arith.muli %add3A_189, %mul3A_190 : i32
        %dma_start3A_192 = tpu.memref_slice %arg5[%mul3A_191] : memref<25600xi32, #tpu.memory_space<vmem>> -> memref<200xi32, #tpu.memory_space<vmem>>
        %dma_start3A_193 = arith.constant 0 : i32
        %dma_start3A_194 = arith.constant 0 : i32
        %dma_start3A_195 = tpu.memref_slice %arg3[%dma_start3A_193, %dma_start3A_194] : memref<1000000x128xf32, #tpu.memory_space<hbm>> -> memref<1000000x128xf32, #tpu.memory_space<hbm>>
        tpu.enqueue_indirect_dma source(%dma_start3A_195 : memref<1000000x128xf32, #tpu.memory_space<hbm>>) target(%arg8 : memref<200x128xf32, #tpu.memory_space<vmem>>) offsets(%dma_start3A_192 : memref<200xi32, #tpu.memory_space<vmem>>) semaphore(%arg12 : memref<!tpu.dma_semaphore, #tpu.memory_space<semaphore_mem>>)
      } else {
      }
      %mul3A_67 = arith.constant 200 : i32
      %mul3A_68 = arith.muli %add3A_62, %mul3A_67 : i32
      %dma_wait3A_69 = tpu.memref_slice %arg5[%mul3A_68] : memref<25600xi32, #tpu.memory_space<vmem>> -> memref<200xi32, #tpu.memory_space<vmem>>
      %dma_wait3A_70 = arith.constant 0 : i32
      %dma_wait3A_71 = arith.constant 0 : i32
      %dma_wait3A_72 = tpu.memref_slice %arg3[%dma_wait3A_70, %dma_wait3A_71] : memref<1000000x128xf32, #tpu.memory_space<hbm>> -> memref<1000000x128xf32, #tpu.memory_space<hbm>>
      tpu.wait_indirect_dma semaphore(%arg10 : memref<!tpu.dma_semaphore, #tpu.memory_space<semaphore_mem>>) src(%dma_wait3A_72 : memref<1000000x128xf32, #tpu.memory_space<hbm>>) dst(%arg6 : memref<200x128xf32, #tpu.memory_space<vmem>>)
      %scan3A_73 = arith.constant 0 : i32
      %scan3A_74 = arith.constant 0 : i32
      %scan3A_75 = arith.constant 50 : i32
      %scan3A_76 = arith.addi %scan3A_74, %scan3A_75 : i32
      %scan3A_77 = arith.constant 1 : i32
      scf.for %scan3A_184 = %scan3A_74 to %scan3A_76 step %scan3A_77  : i32 {
        %mul3A_185 = arith.constant 4 : i32
        %mul3A_186 = arith.muli %scan3A_184, %mul3A_185 : i32
        %add3A_187 = arith.constant 0 : i32
        %add3A_188 = arith.addi %mul3A_186, %add3A_187 : i32
        %get3A = arith.index_cast %add3A_188 : i32 to index
        %get3A_189 = arith.constant 0 : index
        %get3A_190 = tpu.vector_load %arg6[%get3A, %get3A_189] {strides = array<i32>} : memref<200x128xf32, #tpu.memory_space<vmem>>, vector<1x16xf32>,
        %get3A_191 = vector.shape_cast %get3A_190 : vector<1x16xf32> to vector<16xf32>
        %mul3A_192 = arith.constant 8.000000e+00 : f32
        %mul3A_193 = vector.broadcast %mul3A_192 : f32 to vector<16xf32>
        %mul3A_194 = arith.mulf %get3A_191, %mul3A_193 : vector<16xf32>
        %swap3A = arith.index_cast %add3A_188 : i32 to index
        %swap3A_195 = arith.constant 0 : index
        %swap3A_196 = tpu.vector_load %arg6[%swap3A, %swap3A_195] {strides = array<i32>} : memref<200x128xf32, #tpu.memory_space<vmem>>, vector<1x16xf32>,
        %swap3A_197 = vector.shape_cast %swap3A_196 : vector<1x16xf32> to vector<16xf32>
        %swap3A_198 = vector.shape_cast %mul3A_194 : vector<16xf32> to vector<1x16xf32>
        tpu.vector_store %arg6[%swap3A, %swap3A_195], %swap3A_198 {strides = array<i32>} : memref<200x128xf32, #tpu.memory_space<vmem>>, vector<1x16xf32>,
        %get3A_199 = arith.index_cast %add3A_188 : i32 to index
        %get3A_200 = arith.constant 16 : index
        %get3A_201 = tpu.vector_load %arg6[%get3A_199, %get3A_200] {strides = array<i32>} : memref<200x128xf32, #tpu.memory_space<vmem>>, vector<1x16xf32>,
        %get3A_202 = vector.shape_cast %get3A_201 : vector<1x16xf32> to vector<16xf32>
        %mul3A_203 = arith.constant 8.000000e+00 : f32
        %mul3A_204 = vector.broadcast %mul3A_203 : f32 to vector<16xf32>
        %mul3A_205 = arith.mulf %get3A_202, %mul3A_204 : vector<16xf32>
        %swap3A_206 = arith.index_cast %add3A_188 : i32 to index
        %swap3A_207 = arith.constant 16 : index
        %swap3A_208 = tpu.vector_load %arg6[%swap3A_206, %swap3A_207] {strides = array<i32>} : memref<200x128xf32, #tpu.memory_space<vmem>>, vector<1x16xf32>,
        %swap3A_209 = vector.shape_cast %swap3A_208 : vector<1x16xf32> to vector<16xf32>
        %swap3A_210 = vector.shape_cast %mul3A_205 : vector<16xf32> to vector<1x16xf32>
        tpu.vector_store %arg6[%swap3A_206, %swap3A_207], %swap3A_210 {strides = array<i32>} : memref<200x128xf32, #tpu.memory_space<vmem>>, vector<1x16xf32>,
        %get3A_211 = arith.index_cast %add3A_188 : i32 to index
        %get3A_212 = arith.constant 32 : index
        %get3A_213 = tpu.vector_load %arg6[%get3A_211, %get3A_212] {strides = array<i32>} : memref<200x128xf32, #tpu.memory_space<vmem>>, vector<1x16xf32>,
        %get3A_214 = vector.shape_cast %get3A_213 : vector<1x16xf32> to vector<16xf32>
        %mul3A_215 = arith.constant 8.000000e+00 : f32
        %mul3A_216 = vector.broadcast %mul3A_215 : f32 to vector<16xf32>
        %mul3A_217 = arith.mulf %get3A_214, %mul3A_216 : vector<16xf32>
        %swap3A_218 = arith.index_cast %add3A_188 : i32 to index
        %swap3A_219 = arith.constant 32 : index
        %swap3A_220 = tpu.vector_load %arg6[%swap3A_218, %swap3A_219] {strides = array<i32>} : memref<200x128xf32, #tpu.memory_space<vmem>>, vector<1x16xf32>,
        %swap3A_221 = vector.shape_cast %swap3A_220 : vector<1x16xf32> to vector<16xf32>
        %swap3A_222 = vector.shape_cast %mul3A_217 : vector<16xf32> to vector<1x16xf32>
        tpu.vector_store %arg6[%swap3A_218, %swap3A_219], %swap3A_222 {strides = array<i32>} : memref<200x128xf32, #tpu.memory_space<vmem>>, vector<1x16xf32>,
        %get3A_223 = arith.index_cast %add3A_188 : i32 to index
        %get3A_224 = arith.constant 48 : index
        %get3A_225 = tpu.vector_load %arg6[%get3A_223, %get3A_224] {strides = array<i32>} : memref<200x128xf32, #tpu.memory_space<vmem>>, vector<1x16xf32>,
        %get3A_226 = vector.shape_cast %get3A_225 : vector<1x16xf32> to vector<16xf32>
        %mul3A_227 = arith.constant 8.000000e+00 : f32
        %mul3A_228 = vector.broadcast %mul3A_227 : f32 to vector<16xf32>
        %mul3A_229 = arith.mulf %get3A_226, %mul3A_228 : vector<16xf32>
        %swap3A_230 = arith.index_cast %add3A_188 : i32 to index
        %swap3A_231 = arith.constant 48 : index
        %swap3A_232 = tpu.vector_load %arg6[%swap3A_230, %swap3A_231] {strides = array<i32>} : memref<200x128xf32, #tpu.memory_space<vmem>>, vector<1x16xf32>,
        %swap3A_233 = vector.shape_cast %swap3A_232 : vector<1x16xf32> to vector<16xf32>
        %swap3A_234 = vector.shape_cast %mul3A_229 : vector<16xf32> to vector<1x16xf32>
        tpu.vector_store %arg6[%swap3A_230, %swap3A_231], %swap3A_234 {strides = array<i32>} : memref<200x128xf32, #tpu.memory_space<vmem>>, vector<1x16xf32>,
        %mul3A_235 = arith.constant 4 : i32
        %mul3A_236 = arith.muli %scan3A_184, %mul3A_235 : i32
        %add3A_237 = arith.constant 1 : i32
        %add3A_238 = arith.addi %mul3A_236, %add3A_237 : i32
        %get3A_239 = arith.index_cast %add3A_238 : i32 to index
        %get3A_240 = arith.constant 0 : index
        %get3A_241 = tpu.vector_load %arg6[%get3A_239, %get3A_240] {strides = array<i32>} : memref<200x128xf32, #tpu.memory_space<vmem>>, vector<1x16xf32>,
        %get3A_242 = vector.shape_cast %get3A_241 : vector<1x16xf32> to vector<16xf32>
        %mul3A_243 = arith.constant 8.000000e+00 : f32
        %mul3A_244 = vector.broadcast %mul3A_243 : f32 to vector<16xf32>
        %mul3A_245 = arith.mulf %get3A_242, %mul3A_244 : vector<16xf32>
        %swap3A_246 = arith.index_cast %add3A_238 : i32 to index
        %swap3A_247 = arith.constant 0 : index
        %swap3A_248 = tpu.vector_load %arg6[%swap3A_246, %swap3A_247] {strides = array<i32>} : memref<200x128xf32, #tpu.memory_space<vmem>>, vector<1x16xf32>,
        %swap3A_249 = vector.shape_cast %swap3A_248 : vector<1x16xf32> to vector<16xf32>
        %swap3A_250 = vector.shape_cast %mul3A_245 : vector<16xf32> to vector<1x16xf32>
        tpu.vector_store %arg6[%swap3A_246, %swap3A_247], %swap3A_250 {strides = array<i32>} : memref<200x128xf32, #tpu.memory_space<vmem>>, vector<1x16xf32>,
        %get3A_251 = arith.index_cast %add3A_238 : i32 to index
        %get3A_252 = arith.constant 16 : index
        %get3A_253 = tpu.vector_load %arg6[%get3A_251, %get3A_252] {strides = array<i32>} : memref<200x128xf32, #tpu.memory_space<vmem>>, vector<1x16xf32>,
        %get3A_254 = vector.shape_cast %get3A_253 : vector<1x16xf32> to vector<16xf32>
        %mul3A_255 = arith.constant 8.000000e+00 : f32
        %mul3A_256 = vector.broadcast %mul3A_255 : f32 to vector<16xf32>
        %mul3A_257 = arith.mulf %get3A_254, %mul3A_256 : vector<16xf32>
        %swap3A_258 = arith.index_cast %add3A_238 : i32 to index
        %swap3A_259 = arith.constant 16 : index
        %swap3A_260 = tpu.vector_load %arg6[%swap3A_258, %swap3A_259] {strides = array<i32>} : memref<200x128xf32, #tpu.memory_space<vmem>>, vector<1x16xf32>,
        %swap3A_261 = vector.shape_cast %swap3A_260 : vector<1x16xf32> to vector<16xf32>
        %swap3A_262 = vector.shape_cast %mul3A_257 : vector<16xf32> to vector<1x16xf32>
        tpu.vector_store %arg6[%swap3A_258, %swap3A_259], %swap3A_262 {strides = array<i32>} : memref<200x128xf32, #tpu.memory_space<vmem>>, vector<1x16xf32>,
        %get3A_263 = arith.index_cast %add3A_238 : i32 to index
        %get3A_264 = arith.constant 32 : index
        %get3A_265 = tpu.vector_load %arg6[%get3A_263, %get3A_264] {strides = array<i32>} : memref<200x128xf32, #tpu.memory_space<vmem>>, vector<1x16xf32>,
        %get3A_266 = vector.shape_cast %get3A_265 : vector<1x16xf32> to vector<16xf32>
        %mul3A_267 = arith.constant 8.000000e+00 : f32
        %mul3A_268 = vector.broadcast %mul3A_267 : f32 to vector<16xf32>
        %mul3A_269 = arith.mulf %get3A_266, %mul3A_268 : vector<16xf32>
        %swap3A_270 = arith.index_cast %add3A_238 : i32 to index
        %swap3A_271 = arith.constant 32 : index
        %swap3A_272 = tpu.vector_load %arg6[%swap3A_270, %swap3A_271] {strides = array<i32>} : memref<200x128xf32, #tpu.memory_space<vmem>>, vector<1x16xf32>,
        %swap3A_273 = vector.shape_cast %swap3A_272 : vector<1x16xf32> to vector<16xf32>
        %swap3A_274 = vector.shape_cast %mul3A_269 : vector<16xf32> to vector<1x16xf32>
        tpu.vector_store %arg6[%swap3A_270, %swap3A_271], %swap3A_274 {strides = array<i32>} : memref<200x128xf32, #tpu.memory_space<vmem>>, vector<1x16xf32>,
        %get3A_275 = arith.index_cast %add3A_238 : i32 to index
        %get3A_276 = arith.constant 48 : index
        %get3A_277 = tpu.vector_load %arg6[%get3A_275, %get3A_276] {strides = array<i32>} : memref<200x128xf32, #tpu.memory_space<vmem>>, vector<1x16xf32>,
        %get3A_278 = vector.shape_cast %get3A_277 : vector<1x16xf32> to vector<16xf32>
        %mul3A_279 = arith.constant 8.000000e+00 : f32
        %mul3A_280 = vector.broadcast %mul3A_279 : f32 to vector<16xf32>
        %mul3A_281 = arith.mulf %get3A_278, %mul3A_280 : vector<16xf32>
        %swap3A_282 = arith.index_cast %add3A_238 : i32 to index
        %swap3A_283 = arith.constant 48 : index
        %swap3A_284 = tpu.vector_load %arg6[%swap3A_282, %swap3A_283] {strides = array<i32>} : memref<200x128xf32, #tpu.memory_space<vmem>>, vector<1x16xf32>,
        %swap3A_285 = vector.shape_cast %swap3A_284 : vector<1x16xf32> to vector<16xf32>
        %swap3A_286 = vector.shape_cast %mul3A_281 : vector<16xf32> to vector<1x16xf32>
        tpu.vector_store %arg6[%swap3A_282, %swap3A_283], %swap3A_286 {strides = array<i32>} : memref<200x128xf32, #tpu.memory_space<vmem>>, vector<1x16xf32>,
        %mul3A_287 = arith.constant 4 : i32
        %mul3A_288 = arith.muli %scan3A_184, %mul3A_287 : i32
        %add3A_289 = arith.constant 2 : i32
        %add3A_290 = arith.addi %mul3A_288, %add3A_289 : i32
        %get3A_291 = arith.index_cast %add3A_290 : i32 to index
        %get3A_292 = arith.constant 0 : index
        %get3A_293 = tpu.vector_load %arg6[%get3A_291, %get3A_292] {strides = array<i32>} : memref<200x128xf32, #tpu.memory_space<vmem>>, vector<1x16xf32>,
        %get3A_294 = vector.shape_cast %get3A_293 : vector<1x16xf32> to vector<16xf32>
        %mul3A_295 = arith.constant 8.000000e+00 : f32
        %mul3A_296 = vector.broadcast %mul3A_295 : f32 to vector<16xf32>
        %mul3A_297 = arith.mulf %get3A_294, %mul3A_296 : vector<16xf32>
        %swap3A_298 = arith.index_cast %add3A_290 : i32 to index
        %swap3A_299 = arith.constant 0 : index
        %swap3A_300 = tpu.vector_load %arg6[%swap3A_298, %swap3A_299] {strides = array<i32>} : memref<200x128xf32, #tpu.memory_space<vmem>>, vector<1x16xf32>,
        %swap3A_301 = vector.shape_cast %swap3A_300 : vector<1x16xf32> to vector<16xf32>
        %swap3A_302 = vector.shape_cast %mul3A_297 : vector<16xf32> to vector<1x16xf32>
        tpu.vector_store %arg6[%swap3A_298, %swap3A_299], %swap3A_302 {strides = array<i32>} : memref<200x128xf32, #tpu.memory_space<vmem>>, vector<1x16xf32>,
        %get3A_303 = arith.index_cast %add3A_290 : i32 to index
        %get3A_304 = arith.constant 16 : index
        %get3A_305 = tpu.vector_load %arg6[%get3A_303, %get3A_304] {strides = array<i32>} : memref<200x128xf32, #tpu.memory_space<vmem>>, vector<1x16xf32>,
        %get3A_306 = vector.shape_cast %get3A_305 : vector<1x16xf32> to vector<16xf32>
        %mul3A_307 = arith.constant 8.000000e+00 : f32
        %mul3A_308 = vector.broadcast %mul3A_307 : f32 to vector<16xf32>
        %mul3A_309 = arith.mulf %get3A_306, %mul3A_308 : vector<16xf32>
        %swap3A_310 = arith.index_cast %add3A_290 : i32 to index
        %swap3A_311 = arith.constant 16 : index
        %swap3A_312 = tpu.vector_load %arg6[%swap3A_310, %swap3A_311] {strides = array<i32>} : memref<200x128xf32, #tpu.memory_space<vmem>>, vector<1x16xf32>,
        %swap3A_313 = vector.shape_cast %swap3A_312 : vector<1x16xf32> to vector<16xf32>
        %swap3A_314 = vector.shape_cast %mul3A_309 : vector<16xf32> to vector<1x16xf32>
        tpu.vector_store %arg6[%swap3A_310, %swap3A_311], %swap3A_314 {strides = array<i32>} : memref<200x128xf32, #tpu.memory_space<vmem>>, vector<1x16xf32>,
        %get3A_315 = arith.index_cast %add3A_290 : i32 to index
        %get3A_316 = arith.constant 32 : index
        %get3A_317 = tpu.vector_load %arg6[%get3A_315, %get3A_316] {strides = array<i32>} : memref<200x128xf32, #tpu.memory_space<vmem>>, vector<1x16xf32>,
        %get3A_318 = vector.shape_cast %get3A_317 : vector<1x16xf32> to vector<16xf32>
        %mul3A_319 = arith.constant 8.000000e+00 : f32
        %mul3A_320 = vector.broadcast %mul3A_319 : f32 to vector<16xf32>
        %mul3A_321 = arith.mulf %get3A_318, %mul3A_320 : vector<16xf32>
        %swap3A_322 = arith.index_cast %add3A_290 : i32 to index
        %swap3A_323 = arith.constant 32 : index
        %swap3A_324 = tpu.vector_load %arg6[%swap3A_322, %swap3A_323] {strides = array<i32>} : memref<200x128xf32, #tpu.memory_space<vmem>>, vector<1x16xf32>,
        %swap3A_325 = vector.shape_cast %swap3A_324 : vector<1x16xf32> to vector<16xf32>
        %swap3A_326 = vector.shape_cast %mul3A_321 : vector<16xf32> to vector<1x16xf32>
        tpu.vector_store %arg6[%swap3A_322, %swap3A_323], %swap3A_326 {strides = array<i32>} : memref<200x128xf32, #tpu.memory_space<vmem>>, vector<1x16xf32>,
        %get3A_327 = arith.index_cast %add3A_290 : i32 to index
        %get3A_328 = arith.constant 48 : index
        %get3A_329 = tpu.vector_load %arg6[%get3A_327, %get3A_328] {strides = array<i32>} : memref<200x128xf32, #tpu.memory_space<vmem>>, vector<1x16xf32>,
        %get3A_330 = vector.shape_cast %get3A_329 : vector<1x16xf32> to vector<16xf32>
        %mul3A_331 = arith.constant 8.000000e+00 : f32
        %mul3A_332 = vector.broadcast %mul3A_331 : f32 to vector<16xf32>
        %mul3A_333 = arith.mulf %get3A_330, %mul3A_332 : vector<16xf32>
        %swap3A_334 = arith.index_cast %add3A_290 : i32 to index
        %swap3A_335 = arith.constant 48 : index
        %swap3A_336 = tpu.vector_load %arg6[%swap3A_334, %swap3A_335] {strides = array<i32>} : memref<200x128xf32, #tpu.memory_space<vmem>>, vector<1x16xf32>,
        %swap3A_337 = vector.shape_cast %swap3A_336 : vector<1x16xf32> to vector<16xf32>
        %swap3A_338 = vector.shape_cast %mul3A_333 : vector<16xf32> to vector<1x16xf32>
        tpu.vector_store %arg6[%swap3A_334, %swap3A_335], %swap3A_338 {strides = array<i32>} : memref<200x128xf32, #tpu.memory_space<vmem>>, vector<1x16xf32>,
        %mul3A_339 = arith.constant 4 : i32
        %mul3A_340 = arith.muli %scan3A_184, %mul3A_339 : i32
        %add3A_341 = arith.constant 3 : i32
        %add3A_342 = arith.addi %mul3A_340, %add3A_341 : i32
        %get3A_343 = arith.index_cast %add3A_342 : i32 to index
        %get3A_344 = arith.constant 0 : index
        %get3A_345 = tpu.vector_load %arg6[%get3A_343, %get3A_344] {strides = array<i32>} : memref<200x128xf32, #tpu.memory_space<vmem>>, vector<1x16xf32>,
        %get3A_346 = vector.shape_cast %get3A_345 : vector<1x16xf32> to vector<16xf32>
        %mul3A_347 = arith.constant 8.000000e+00 : f32
        %mul3A_348 = vector.broadcast %mul3A_347 : f32 to vector<16xf32>
        %mul3A_349 = arith.mulf %get3A_346, %mul3A_348 : vector<16xf32>
        %swap3A_350 = arith.index_cast %add3A_342 : i32 to index
        %swap3A_351 = arith.constant 0 : index
        %swap3A_352 = tpu.vector_load %arg6[%swap3A_350, %swap3A_351] {strides = array<i32>} : memref<200x128xf32, #tpu.memory_space<vmem>>, vector<1x16xf32>,
        %swap3A_353 = vector.shape_cast %swap3A_352 : vector<1x16xf32> to vector<16xf32>
        %swap3A_354 = vector.shape_cast %mul3A_349 : vector<16xf32> to vector<1x16xf32>
        tpu.vector_store %arg6[%swap3A_350, %swap3A_351], %swap3A_354 {strides = array<i32>} : memref<200x128xf32, #tpu.memory_space<vmem>>, vector<1x16xf32>,
        %get3A_355 = arith.index_cast %add3A_342 : i32 to index
        %get3A_356 = arith.constant 16 : index
        %get3A_357 = tpu.vector_load %arg6[%get3A_355, %get3A_356] {strides = array<i32>} : memref<200x128xf32, #tpu.memory_space<vmem>>, vector<1x16xf32>,
        %get3A_358 = vector.shape_cast %get3A_357 : vector<1x16xf32> to vector<16xf32>
        %mul3A_359 = arith.constant 8.000000e+00 : f32
        %mul3A_360 = vector.broadcast %mul3A_359 : f32 to vector<16xf32>
        %mul3A_361 = arith.mulf %get3A_358, %mul3A_360 : vector<16xf32>
        %swap3A_362 = arith.index_cast %add3A_342 : i32 to index
        %swap3A_363 = arith.constant 16 : index
        %swap3A_364 = tpu.vector_load %arg6[%swap3A_362, %swap3A_363] {strides = array<i32>} : memref<200x128xf32, #tpu.memory_space<vmem>>, vector<1x16xf32>,
        %swap3A_365 = vector.shape_cast %swap3A_364 : vector<1x16xf32> to vector<16xf32>
        %swap3A_366 = vector.shape_cast %mul3A_361 : vector<16xf32> to vector<1x16xf32>
        tpu.vector_store %arg6[%swap3A_362, %swap3A_363], %swap3A_366 {strides = array<i32>} : memref<200x128xf32, #tpu.memory_space<vmem>>, vector<1x16xf32>,
        %get3A_367 = arith.index_cast %add3A_342 : i32 to index
        %get3A_368 = arith.constant 32 : index
        %get3A_369 = tpu.vector_load %arg6[%get3A_367, %get3A_368] {strides = array<i32>} : memref<200x128xf32, #tpu.memory_space<vmem>>, vector<1x16xf32>,
        %get3A_370 = vector.shape_cast %get3A_369 : vector<1x16xf32> to vector<16xf32>
        %mul3A_371 = arith.constant 8.000000e+00 : f32
        %mul3A_372 = vector.broadcast %mul3A_371 : f32 to vector<16xf32>
        %mul3A_373 = arith.mulf %get3A_370, %mul3A_372 : vector<16xf32>
        %swap3A_374 = arith.index_cast %add3A_342 : i32 to index
        %swap3A_375 = arith.constant 32 : index
        %swap3A_376 = tpu.vector_load %arg6[%swap3A_374, %swap3A_375] {strides = array<i32>} : memref<200x128xf32, #tpu.memory_space<vmem>>, vector<1x16xf32>,
        %swap3A_377 = vector.shape_cast %swap3A_376 : vector<1x16xf32> to vector<16xf32>
        %swap3A_378 = vector.shape_cast %mul3A_373 : vector<16xf32> to vector<1x16xf32>
        tpu.vector_store %arg6[%swap3A_374, %swap3A_375], %swap3A_378 {strides = array<i32>} : memref<200x128xf32, #tpu.memory_space<vmem>>, vector<1x16xf32>,
        %get3A_379 = arith.index_cast %add3A_342 : i32 to index
        %get3A_380 = arith.constant 48 : index
        %get3A_381 = tpu.vector_load %arg6[%get3A_379, %get3A_380] {strides = array<i32>} : memref<200x128xf32, #tpu.memory_space<vmem>>, vector<1x16xf32>,
        %get3A_382 = vector.shape_cast %get3A_381 : vector<1x16xf32> to vector<16xf32>
        %mul3A_383 = arith.constant 8.000000e+00 : f32
        %mul3A_384 = vector.broadcast %mul3A_383 : f32 to vector<16xf32>
        %mul3A_385 = arith.mulf %get3A_382, %mul3A_384 : vector<16xf32>
        %swap3A_386 = arith.index_cast %add3A_342 : i32 to index
        %swap3A_387 = arith.constant 48 : index
        %swap3A_388 = tpu.vector_load %arg6[%swap3A_386, %swap3A_387] {strides = array<i32>} : memref<200x128xf32, #tpu.memory_space<vmem>>, vector<1x16xf32>,
        %swap3A_389 = vector.shape_cast %swap3A_388 : vector<1x16xf32> to vector<16xf32>
        %swap3A_390 = vector.shape_cast %mul3A_385 : vector<16xf32> to vector<1x16xf32>
        tpu.vector_store %arg6[%swap3A_386, %swap3A_387], %swap3A_390 {strides = array<i32>} : memref<200x128xf32, #tpu.memory_space<vmem>>, vector<1x16xf32>,
      }
      %scan3A_78 = arith.constant 50 : i32
      %add3A_79 = arith.addi %mul3A_2, %add3A_62 : i32
      %dma_start3A_80 = arith.constant 0 : i32
      %dma_start3A_81 = arith.constant 0 : i32
      %dma_start3A_82 = tpu.memref_slice %arg4[%add3A_79, %dma_start3A_80, %dma_start3A_81] : memref<4096x200x128xf32, #tpu.memory_space<hbm>> -> memref<1x200x128xf32, #tpu.memory_space<hbm>>
      %dma_start3A_83 = tpu.memref_squeeze %dma_start3A_82 : memref<1x200x128xf32, #tpu.memory_space<hbm>> -> memref<200x128xf32, #tpu.memory_space<hbm>>
      %dma_start3A_84 = arith.constant 0 : i32
      %dma_start3A_85 = arith.constant 0 : i32
      %dma_start3A_86 = tpu.memref_slice %arg4[%add3A_79, %dma_start3A_84, %dma_start3A_85] : memref<4096x200x128xf32, #tpu.memory_space<hbm>> -> memref<1x200x128xf32, #tpu.memory_space<hbm>>
      %dma_start3A_87 = tpu.memref_squeeze %dma_start3A_86 : memref<1x200x128xf32, #tpu.memory_space<hbm>> -> memref<200x128xf32, #tpu.memory_space<hbm>>
      tpu.enqueue_dma source(%arg6 : memref<200x128xf32, #tpu.memory_space<vmem>>) target(%dma_start3A_87 : memref<200x128xf32, #tpu.memory_space<hbm>>) target_semaphore(%arg14 : memref<!tpu.dma_semaphore, #tpu.memory_space<semaphore_mem>>)
      %mul3A_88 = arith.constant 4 : i32
      %mul3A_89 = arith.muli %scan3A_58, %mul3A_88 : i32
      %add3A_90 = arith.constant 1 : i32
      %add3A_91 = arith.addi %mul3A_89, %add3A_90 : i32
      %add3A_92 = arith.constant 2 : i32
      %add3A_93 = arith.addi %add3A_91, %add3A_92 : i32
      %lt3A_94 = arith.constant 128 : i32
      %lt3A_95 = arith.cmpi slt, %add3A_93, %lt3A_94 : i32
      %convert_element_type3A_96 = arith.extui %lt3A_95 : i1 to i32
      %cond3A_97 = arith.constant 0 : i32
      %cond3A_98 = arith.cmpi ne, %convert_element_type3A_96, %cond3A_97 : i32
      scf.if %cond3A_98 {
        %ge3A = arith.constant 2 : i32
        %ge3A_184 = arith.cmpi sge, %add3A_91, %ge3A : i32
        %convert_element_type3A_185 = arith.extui %ge3A_184 : i1 to i32
        %cond3A_186 = arith.constant 0 : i32
        %cond3A_187 = arith.cmpi ne, %convert_element_type3A_185, %cond3A_186 : i32
        scf.if %cond3A_187 {
          %sub3A = arith.constant 2 : i32
          %sub3A_196 = arith.subi %add3A_91, %sub3A : i32
          %add3A_197 = arith.addi %mul3A_2, %sub3A_196 : i32
          %dma_wait3A_198 = arith.constant 0 : i32
          %dma_wait3A_199 = arith.constant 0 : i32
          %dma_wait3A_200 = tpu.memref_slice %arg4[%add3A_197, %dma_wait3A_198, %dma_wait3A_199] : memref<4096x200x128xf32, #tpu.memory_space<hbm>> -> memref<1x200x128xf32, #tpu.memory_space<hbm>>
          %dma_wait3A_201 = tpu.memref_squeeze %dma_wait3A_200 : memref<1x200x128xf32, #tpu.memory_space<hbm>> -> memref<200x128xf32, #tpu.memory_space<hbm>>
          %dma_wait3A_202 = arith.constant 0 : i32
          %dma_wait3A_203 = arith.constant 0 : i32
          %dma_wait3A_204 = tpu.memref_slice %arg4[%add3A_197, %dma_wait3A_202, %dma_wait3A_203] : memref<4096x200x128xf32, #tpu.memory_space<hbm>> -> memref<1x200x128xf32, #tpu.memory_space<hbm>>
          %dma_wait3A_205 = tpu.memref_squeeze %dma_wait3A_204 : memref<1x200x128xf32, #tpu.memory_space<hbm>> -> memref<200x128xf32, #tpu.memory_space<hbm>>
          tpu.wait_dma2 semaphore(%arg17 : memref<!tpu.dma_semaphore, #tpu.memory_space<semaphore_mem>>) src(%arg9 : memref<200x128xf32, #tpu.memory_space<vmem>>) dst(%dma_wait3A_205 : memref<200x128xf32, #tpu.memory_space<hbm>>)
        } else {
        }
        %add3A_188 = arith.constant 2 : i32
        %add3A_189 = arith.addi %add3A_91, %add3A_188 : i32
        %mul3A_190 = arith.constant 200 : i32
        %mul3A_191 = arith.muli %add3A_189, %mul3A_190 : i32
        %dma_start3A_192 = tpu.memref_slice %arg5[%mul3A_191] : memref<25600xi32, #tpu.memory_space<vmem>> -> memref<200xi32, #tpu.memory_space<vmem>>
        %dma_start3A_193 = arith.constant 0 : i32
        %dma_start3A_194 = arith.constant 0 : i32
        %dma_start3A_195 = tpu.memref_slice %arg3[%dma_start3A_193, %dma_start3A_194] : memref<1000000x128xf32, #tpu.memory_space<hbm>> -> memref<1000000x128xf32, #tpu.memory_space<hbm>>
        tpu.enqueue_indirect_dma source(%dma_start3A_195 : memref<1000000x128xf32, #tpu.memory_space<hbm>>) target(%arg9 : memref<200x128xf32, #tpu.memory_space<vmem>>) offsets(%dma_start3A_192 : memref<200xi32, #tpu.memory_space<vmem>>) semaphore(%arg13 : memref<!tpu.dma_semaphore, #tpu.memory_space<semaphore_mem>>)
      } else {
      }
      %mul3A_99 = arith.constant 200 : i32
      %mul3A_100 = arith.muli %add3A_91, %mul3A_99 : i32
      %dma_wait3A_101 = tpu.memref_slice %arg5[%mul3A_100] : memref<25600xi32, #tpu.memory_space<vmem>> -> memref<200xi32, #tpu.memory_space<vmem>>
      %dma_wait3A_102 = arith.constant 0 : i32
      %dma_wait3A_103 = arith.constant 0 : i32
      %dma_wait3A_104 = tpu.memref_slice %arg3[%dma_wait3A_102, %dma_wait3A_103] : memref<1000000x128xf32, #tpu.memory_space<hbm>> -> memref<1000000x128xf32, #tpu.memory_space<hbm>>
      tpu.wait_indirect_dma semaphore(%arg11 : memref<!tpu.dma_semaphore, #tpu.memory_space<semaphore_mem>>) src(%dma_wait3A_104 : memref<1000000x128xf32, #tpu.memory_space<hbm>>) dst(%arg7 : memref<200x128xf32, #tpu.memory_space<vmem>>)
      %scan3A_105 = arith.constant 0 : i32
      %scan3A_106 = arith.constant 0 : i32
      %scan3A_107 = arith.constant 50 : i32
      %scan3A_108 = arith.addi %scan3A_106, %scan3A_107 : i32
      %scan3A_109 = arith.constant 1 : i32
      scf.for %scan3A_184 = %scan3A_106 to %scan3A_108 step %scan3A_109  : i32 {
        %mul3A_185 = arith.constant 4 : i32
        %mul3A_186 = arith.muli %scan3A_184, %mul3A_185 : i32
        %add3A_187 = arith.constant 0 : i32
        %add3A_188 = arith.addi %mul3A_186, %add3A_187 : i32
        %get3A = arith.index_cast %add3A_188 : i32 to index
        %get3A_189 = arith.constant 0 : index
        %get3A_190 = tpu.vector_load %arg7[%get3A, %get3A_189] {strides = array<i32>} : memref<200x128xf32, #tpu.memory_space<vmem>>, vector<1x16xf32>,
        %get3A_191 = vector.shape_cast %get3A_190 : vector<1x16xf32> to vector<16xf32>
        %mul3A_192 = arith.constant 8.000000e+00 : f32
        %mul3A_193 = vector.broadcast %mul3A_192 : f32 to vector<16xf32>
        %mul3A_194 = arith.mulf %get3A_191, %mul3A_193 : vector<16xf32>
        %swap3A = arith.index_cast %add3A_188 : i32 to index
        %swap3A_195 = arith.constant 0 : index
        %swap3A_196 = tpu.vector_load %arg7[%swap3A, %swap3A_195] {strides = array<i32>} : memref<200x128xf32, #tpu.memory_space<vmem>>, vector<1x16xf32>,
        %swap3A_197 = vector.shape_cast %swap3A_196 : vector<1x16xf32> to vector<16xf32>
        %swap3A_198 = vector.shape_cast %mul3A_194 : vector<16xf32> to vector<1x16xf32>
        tpu.vector_store %arg7[%swap3A, %swap3A_195], %swap3A_198 {strides = array<i32>} : memref<200x128xf32, #tpu.memory_space<vmem>>, vector<1x16xf32>,
        %get3A_199 = arith.index_cast %add3A_188 : i32 to index
        %get3A_200 = arith.constant 16 : index
        %get3A_201 = tpu.vector_load %arg7[%get3A_199, %get3A_200] {strides = array<i32>} : memref<200x128xf32, #tpu.memory_space<vmem>>, vector<1x16xf32>,
        %get3A_202 = vector.shape_cast %get3A_201 : vector<1x16xf32> to vector<16xf32>
        %mul3A_203 = arith.constant 8.000000e+00 : f32
        %mul3A_204 = vector.broadcast %mul3A_203 : f32 to vector<16xf32>
        %mul3A_205 = arith.mulf %get3A_202, %mul3A_204 : vector<16xf32>
        %swap3A_206 = arith.index_cast %add3A_188 : i32 to index
        %swap3A_207 = arith.constant 16 : index
        %swap3A_208 = tpu.vector_load %arg7[%swap3A_206, %swap3A_207] {strides = array<i32>} : memref<200x128xf32, #tpu.memory_space<vmem>>, vector<1x16xf32>,
        %swap3A_209 = vector.shape_cast %swap3A_208 : vector<1x16xf32> to vector<16xf32>
        %swap3A_210 = vector.shape_cast %mul3A_205 : vector<16xf32> to vector<1x16xf32>
        tpu.vector_store %arg7[%swap3A_206, %swap3A_207], %swap3A_210 {strides = array<i32>} : memref<200x128xf32, #tpu.memory_space<vmem>>, vector<1x16xf32>,
        %get3A_211 = arith.index_cast %add3A_188 : i32 to index
        %get3A_212 = arith.constant 32 : index
        %get3A_213 = tpu.vector_load %arg7[%get3A_211, %get3A_212] {strides = array<i32>} : memref<200x128xf32, #tpu.memory_space<vmem>>, vector<1x16xf32>,
        %get3A_214 = vector.shape_cast %get3A_213 : vector<1x16xf32> to vector<16xf32>
        %mul3A_215 = arith.constant 8.000000e+00 : f32
        %mul3A_216 = vector.broadcast %mul3A_215 : f32 to vector<16xf32>
        %mul3A_217 = arith.mulf %get3A_214, %mul3A_216 : vector<16xf32>
        %swap3A_218 = arith.index_cast %add3A_188 : i32 to index
        %swap3A_219 = arith.constant 32 : index
        %swap3A_220 = tpu.vector_load %arg7[%swap3A_218, %swap3A_219] {strides = array<i32>} : memref<200x128xf32, #tpu.memory_space<vmem>>, vector<1x16xf32>,
        %swap3A_221 = vector.shape_cast %swap3A_220 : vector<1x16xf32> to vector<16xf32>
        %swap3A_222 = vector.shape_cast %mul3A_217 : vector<16xf32> to vector<1x16xf32>
        tpu.vector_store %arg7[%swap3A_218, %swap3A_219], %swap3A_222 {strides = array<i32>} : memref<200x128xf32, #tpu.memory_space<vmem>>, vector<1x16xf32>,
        %get3A_223 = arith.index_cast %add3A_188 : i32 to index
        %get3A_224 = arith.constant 48 : index
        %get3A_225 = tpu.vector_load %arg7[%get3A_223, %get3A_224] {strides = array<i32>} : memref<200x128xf32, #tpu.memory_space<vmem>>, vector<1x16xf32>,
        %get3A_226 = vector.shape_cast %get3A_225 : vector<1x16xf32> to vector<16xf32>
        %mul3A_227 = arith.constant 8.000000e+00 : f32
        %mul3A_228 = vector.broadcast %mul3A_227 : f32 to vector<16xf32>
        %mul3A_229 = arith.mulf %get3A_226, %mul3A_228 : vector<16xf32>
        %swap3A_230 = arith.index_cast %add3A_188 : i32 to index
        %swap3A_231 = arith.constant 48 : index
        %swap3A_232 = tpu.vector_load %arg7[%swap3A_230, %swap3A_231] {strides = array<i32>} : memref<200x128xf32, #tpu.memory_space<vmem>>, vector<1x16xf32>,
        %swap3A_233 = vector.shape_cast %swap3A_232 : vector<1x16xf32> to vector<16xf32>
        %swap3A_234 = vector.shape_cast %mul3A_229 : vector<16xf32> to vector<1x16xf32>
        tpu.vector_store %arg7[%swap3A_230, %swap3A_231], %swap3A_234 {strides = array<i32>} : memref<200x128xf32, #tpu.memory_space<vmem>>, vector<1x16xf32>,
        %mul3A_235 = arith.constant 4 : i32
        %mul3A_236 = arith.muli %scan3A_184, %mul3A_235 : i32
        %add3A_237 = arith.constant 1 : i32
        %add3A_238 = arith.addi %mul3A_236, %add3A_237 : i32
        %get3A_239 = arith.index_cast %add3A_238 : i32 to index
        %get3A_240 = arith.constant 0 : index
        %get3A_241 = tpu.vector_load %arg7[%get3A_239, %get3A_240] {strides = array<i32>} : memref<200x128xf32, #tpu.memory_space<vmem>>, vector<1x16xf32>,
        %get3A_242 = vector.shape_cast %get3A_241 : vector<1x16xf32> to vector<16xf32>
        %mul3A_243 = arith.constant 8.000000e+00 : f32
        %mul3A_244 = vector.broadcast %mul3A_243 : f32 to vector<16xf32>
        %mul3A_245 = arith.mulf %get3A_242, %mul3A_244 : vector<16xf32>
        %swap3A_246 = arith.index_cast %add3A_238 : i32 to index
        %swap3A_247 = arith.constant 0 : index
        %swap3A_248 = tpu.vector_load %arg7[%swap3A_246, %swap3A_247] {strides = array<i32>} : memref<200x128xf32, #tpu.memory_space<vmem>>, vector<1x16xf32>,
        %swap3A_249 = vector.shape_cast %swap3A_248 : vector<1x16xf32> to vector<16xf32>
        %swap3A_250 = vector.shape_cast %mul3A_245 : vector<16xf32> to vector<1x16xf32>
        tpu.vector_store %arg7[%swap3A_246, %swap3A_247], %swap3A_250 {strides = array<i32>} : memref<200x128xf32, #tpu.memory_space<vmem>>, vector<1x16xf32>,
        %get3A_251 = arith.index_cast %add3A_238 : i32 to index
        %get3A_252 = arith.constant 16 : index
        %get3A_253 = tpu.vector_load %arg7[%get3A_251, %get3A_252] {strides = array<i32>} : memref<200x128xf32, #tpu.memory_space<vmem>>, vector<1x16xf32>,
        %get3A_254 = vector.shape_cast %get3A_253 : vector<1x16xf32> to vector<16xf32>
        %mul3A_255 = arith.constant 8.000000e+00 : f32
        %mul3A_256 = vector.broadcast %mul3A_255 : f32 to vector<16xf32>
        %mul3A_257 = arith.mulf %get3A_254, %mul3A_256 : vector<16xf32>
        %swap3A_258 = arith.index_cast %add3A_238 : i32 to index
        %swap3A_259 = arith.constant 16 : index
        %swap3A_260 = tpu.vector_load %arg7[%swap3A_258, %swap3A_259] {strides = array<i32>} : memref<200x128xf32, #tpu.memory_space<vmem>>, vector<1x16xf32>,
        %swap3A_261 = vector.shape_cast %swap3A_260 : vector<1x16xf32> to vector<16xf32>
        %swap3A_262 = vector.shape_cast %mul3A_257 : vector<16xf32> to vector<1x16xf32>
        tpu.vector_store %arg7[%swap3A_258, %swap3A_259], %swap3A_262 {strides = array<i32>} : memref<200x128xf32, #tpu.memory_space<vmem>>, vector<1x16xf32>,
        %get3A_263 = arith.index_cast %add3A_238 : i32 to index
        %get3A_264 = arith.constant 32 : index
        %get3A_265 = tpu.vector_load %arg7[%get3A_263, %get3A_264] {strides = array<i32>} : memref<200x128xf32, #tpu.memory_space<vmem>>, vector<1x16xf32>,
        %get3A_266 = vector.shape_cast %get3A_265 : vector<1x16xf32> to vector<16xf32>
        %mul3A_267 = arith.constant 8.000000e+00 : f32
        %mul3A_268 = vector.broadcast %mul3A_267 : f32 to vector<16xf32>
        %mul3A_269 = arith.mulf %get3A_266, %mul3A_268 : vector<16xf32>
        %swap3A_270 = arith.index_cast %add3A_238 : i32 to index
        %swap3A_271 = arith.constant 32 : index
        %swap3A_272 = tpu.vector_load %arg7[%swap3A_270, %swap3A_271] {strides = array<i32>} : memref<200x128xf32, #tpu.memory_space<vmem>>, vector<1x16xf32>,
        %swap3A_273 = vector.shape_cast %swap3A_272 : vector<1x16xf32> to vector<16xf32>
        %swap3A_274 = vector.shape_cast %mul3A_269 : vector<16xf32> to vector<1x16xf32>
        tpu.vector_store %arg7[%swap3A_270, %swap3A_271], %swap3A_274 {strides = array<i32>} : memref<200x128xf32, #tpu.memory_space<vmem>>, vector<1x16xf32>,
        %get3A_275 = arith.index_cast %add3A_238 : i32 to index
        %get3A_276 = arith.constant 48 : index
        %get3A_277 = tpu.vector_load %arg7[%get3A_275, %get3A_276] {strides = array<i32>} : memref<200x128xf32, #tpu.memory_space<vmem>>, vector<1x16xf32>,
        %get3A_278 = vector.shape_cast %get3A_277 : vector<1x16xf32> to vector<16xf32>
        %mul3A_279 = arith.constant 8.000000e+00 : f32
        %mul3A_280 = vector.broadcast %mul3A_279 : f32 to vector<16xf32>
        %mul3A_281 = arith.mulf %get3A_278, %mul3A_280 : vector<16xf32>
        %swap3A_282 = arith.index_cast %add3A_238 : i32 to index
        %swap3A_283 = arith.constant 48 : index
        %swap3A_284 = tpu.vector_load %arg7[%swap3A_282, %swap3A_283] {strides = array<i32>} : memref<200x128xf32, #tpu.memory_space<vmem>>, vector<1x16xf32>,
        %swap3A_285 = vector.shape_cast %swap3A_284 : vector<1x16xf32> to vector<16xf32>
        %swap3A_286 = vector.shape_cast %mul3A_281 : vector<16xf32> to vector<1x16xf32>
        tpu.vector_store %arg7[%swap3A_282, %swap3A_283], %swap3A_286 {strides = array<i32>} : memref<200x128xf32, #tpu.memory_space<vmem>>, vector<1x16xf32>,
        %mul3A_287 = arith.constant 4 : i32
        %mul3A_288 = arith.muli %scan3A_184, %mul3A_287 : i32
        %add3A_289 = arith.constant 2 : i32
        %add3A_290 = arith.addi %mul3A_288, %add3A_289 : i32
        %get3A_291 = arith.index_cast %add3A_290 : i32 to index
        %get3A_292 = arith.constant 0 : index
        %get3A_293 = tpu.vector_load %arg7[%get3A_291, %get3A_292] {strides = array<i32>} : memref<200x128xf32, #tpu.memory_space<vmem>>, vector<1x16xf32>,
        %get3A_294 = vector.shape_cast %get3A_293 : vector<1x16xf32> to vector<16xf32>
        %mul3A_295 = arith.constant 8.000000e+00 : f32
        %mul3A_296 = vector.broadcast %mul3A_295 : f32 to vector<16xf32>
        %mul3A_297 = arith.mulf %get3A_294, %mul3A_296 : vector<16xf32>
        %swap3A_298 = arith.index_cast %add3A_290 : i32 to index
        %swap3A_299 = arith.constant 0 : index
        %swap3A_300 = tpu.vector_load %arg7[%swap3A_298, %swap3A_299] {strides = array<i32>} : memref<200x128xf32, #tpu.memory_space<vmem>>, vector<1x16xf32>,
        %swap3A_301 = vector.shape_cast %swap3A_300 : vector<1x16xf32> to vector<16xf32>
        %swap3A_302 = vector.shape_cast %mul3A_297 : vector<16xf32> to vector<1x16xf32>
        tpu.vector_store %arg7[%swap3A_298, %swap3A_299], %swap3A_302 {strides = array<i32>} : memref<200x128xf32, #tpu.memory_space<vmem>>, vector<1x16xf32>,
        %get3A_303 = arith.index_cast %add3A_290 : i32 to index
        %get3A_304 = arith.constant 16 : index
        %get3A_305 = tpu.vector_load %arg7[%get3A_303, %get3A_304] {strides = array<i32>} : memref<200x128xf32, #tpu.memory_space<vmem>>, vector<1x16xf32>,
        %get3A_306 = vector.shape_cast %get3A_305 : vector<1x16xf32> to vector<16xf32>
        %mul3A_307 = arith.constant 8.000000e+00 : f32
        %mul3A_308 = vector.broadcast %mul3A_307 : f32 to vector<16xf32>
        %mul3A_309 = arith.mulf %get3A_306, %mul3A_308 : vector<16xf32>
        %swap3A_310 = arith.index_cast %add3A_290 : i32 to index
        %swap3A_311 = arith.constant 16 : index
        %swap3A_312 = tpu.vector_load %arg7[%swap3A_310, %swap3A_311] {strides = array<i32>} : memref<200x128xf32, #tpu.memory_space<vmem>>, vector<1x16xf32>,
        %swap3A_313 = vector.shape_cast %swap3A_312 : vector<1x16xf32> to vector<16xf32>
        %swap3A_314 = vector.shape_cast %mul3A_309 : vector<16xf32> to vector<1x16xf32>
        tpu.vector_store %arg7[%swap3A_310, %swap3A_311], %swap3A_314 {strides = array<i32>} : memref<200x128xf32, #tpu.memory_space<vmem>>, vector<1x16xf32>,
        %get3A_315 = arith.index_cast %add3A_290 : i32 to index
        %get3A_316 = arith.constant 32 : index
        %get3A_317 = tpu.vector_load %arg7[%get3A_315, %get3A_316] {strides = array<i32>} : memref<200x128xf32, #tpu.memory_space<vmem>>, vector<1x16xf32>,
        %get3A_318 = vector.shape_cast %get3A_317 : vector<1x16xf32> to vector<16xf32>
        %mul3A_319 = arith.constant 8.000000e+00 : f32
        %mul3A_320 = vector.broadcast %mul3A_319 : f32 to vector<16xf32>
        %mul3A_321 = arith.mulf %get3A_318, %mul3A_320 : vector<16xf32>
        %swap3A_322 = arith.index_cast %add3A_290 : i32 to index
        %swap3A_323 = arith.constant 32 : index
        %swap3A_324 = tpu.vector_load %arg7[%swap3A_322, %swap3A_323] {strides = array<i32>} : memref<200x128xf32, #tpu.memory_space<vmem>>, vector<1x16xf32>,
        %swap3A_325 = vector.shape_cast %swap3A_324 : vector<1x16xf32> to vector<16xf32>
        %swap3A_326 = vector.shape_cast %mul3A_321 : vector<16xf32> to vector<1x16xf32>
        tpu.vector_store %arg7[%swap3A_322, %swap3A_323], %swap3A_326 {strides = array<i32>} : memref<200x128xf32, #tpu.memory_space<vmem>>, vector<1x16xf32>,
        %get3A_327 = arith.index_cast %add3A_290 : i32 to index
        %get3A_328 = arith.constant 48 : index
        %get3A_329 = tpu.vector_load %arg7[%get3A_327, %get3A_328] {strides = array<i32>} : memref<200x128xf32, #tpu.memory_space<vmem>>, vector<1x16xf32>,
        %get3A_330 = vector.shape_cast %get3A_329 : vector<1x16xf32> to vector<16xf32>
        %mul3A_331 = arith.constant 8.000000e+00 : f32
        %mul3A_332 = vector.broadcast %mul3A_331 : f32 to vector<16xf32>
        %mul3A_333 = arith.mulf %get3A_330, %mul3A_332 : vector<16xf32>
        %swap3A_334 = arith.index_cast %add3A_290 : i32 to index
        %swap3A_335 = arith.constant 48 : index
        %swap3A_336 = tpu.vector_load %arg7[%swap3A_334, %swap3A_335] {strides = array<i32>} : memref<200x128xf32, #tpu.memory_space<vmem>>, vector<1x16xf32>,
        %swap3A_337 = vector.shape_cast %swap3A_336 : vector<1x16xf32> to vector<16xf32>
        %swap3A_338 = vector.shape_cast %mul3A_333 : vector<16xf32> to vector<1x16xf32>
        tpu.vector_store %arg7[%swap3A_334, %swap3A_335], %swap3A_338 {strides = array<i32>} : memref<200x128xf32, #tpu.memory_space<vmem>>, vector<1x16xf32>,
        %mul3A_339 = arith.constant 4 : i32
        %mul3A_340 = arith.muli %scan3A_184, %mul3A_339 : i32
        %add3A_341 = arith.constant 3 : i32
        %add3A_342 = arith.addi %mul3A_340, %add3A_341 : i32
        %get3A_343 = arith.index_cast %add3A_342 : i32 to index
        %get3A_344 = arith.constant 0 : index
        %get3A_345 = tpu.vector_load %arg7[%get3A_343, %get3A_344] {strides = array<i32>} : memref<200x128xf32, #tpu.memory_space<vmem>>, vector<1x16xf32>,
        %get3A_346 = vector.shape_cast %get3A_345 : vector<1x16xf32> to vector<16xf32>
        %mul3A_347 = arith.constant 8.000000e+00 : f32
        %mul3A_348 = vector.broadcast %mul3A_347 : f32 to vector<16xf32>
        %mul3A_349 = arith.mulf %get3A_346, %mul3A_348 : vector<16xf32>
        %swap3A_350 = arith.index_cast %add3A_342 : i32 to index
        %swap3A_351 = arith.constant 0 : index
        %swap3A_352 = tpu.vector_load %arg7[%swap3A_350, %swap3A_351] {strides = array<i32>} : memref<200x128xf32, #tpu.memory_space<vmem>>, vector<1x16xf32>,
        %swap3A_353 = vector.shape_cast %swap3A_352 : vector<1x16xf32> to vector<16xf32>
        %swap3A_354 = vector.shape_cast %mul3A_349 : vector<16xf32> to vector<1x16xf32>
        tpu.vector_store %arg7[%swap3A_350, %swap3A_351], %swap3A_354 {strides = array<i32>} : memref<200x128xf32, #tpu.memory_space<vmem>>, vector<1x16xf32>,
        %get3A_355 = arith.index_cast %add3A_342 : i32 to index
        %get3A_356 = arith.constant 16 : index
        %get3A_357 = tpu.vector_load %arg7[%get3A_355, %get3A_356] {strides = array<i32>} : memref<200x128xf32, #tpu.memory_space<vmem>>, vector<1x16xf32>,
        %get3A_358 = vector.shape_cast %get3A_357 : vector<1x16xf32> to vector<16xf32>
        %mul3A_359 = arith.constant 8.000000e+00 : f32
        %mul3A_360 = vector.broadcast %mul3A_359 : f32 to vector<16xf32>
        %mul3A_361 = arith.mulf %get3A_358, %mul3A_360 : vector<16xf32>
        %swap3A_362 = arith.index_cast %add3A_342 : i32 to index
        %swap3A_363 = arith.constant 16 : index
        %swap3A_364 = tpu.vector_load %arg7[%swap3A_362, %swap3A_363] {strides = array<i32>} : memref<200x128xf32, #tpu.memory_space<vmem>>, vector<1x16xf32>,
        %swap3A_365 = vector.shape_cast %swap3A_364 : vector<1x16xf32> to vector<16xf32>
        %swap3A_366 = vector.shape_cast %mul3A_361 : vector<16xf32> to vector<1x16xf32>
        tpu.vector_store %arg7[%swap3A_362, %swap3A_363], %swap3A_366 {strides = array<i32>} : memref<200x128xf32, #tpu.memory_space<vmem>>, vector<1x16xf32>,
        %get3A_367 = arith.index_cast %add3A_342 : i32 to index
        %get3A_368 = arith.constant 32 : index
        %get3A_369 = tpu.vector_load %arg7[%get3A_367, %get3A_368] {strides = array<i32>} : memref<200x128xf32, #tpu.memory_space<vmem>>, vector<1x16xf32>,
        %get3A_370 = vector.shape_cast %get3A_369 : vector<1x16xf32> to vector<16xf32>
        %mul3A_371 = arith.constant 8.000000e+00 : f32
        %mul3A_372 = vector.broadcast %mul3A_371 : f32 to vector<16xf32>
        %mul3A_373 = arith.mulf %get3A_370, %mul3A_372 : vector<16xf32>
        %swap3A_374 = arith.index_cast %add3A_342 : i32 to index
        %swap3A_375 = arith.constant 32 : index
        %swap3A_376 = tpu.vector_load %arg7[%swap3A_374, %swap3A_375] {strides = array<i32>} : memref<200x128xf32, #tpu.memory_space<vmem>>, vector<1x16xf32>,
        %swap3A_377 = vector.shape_cast %swap3A_376 : vector<1x16xf32> to vector<16xf32>
        %swap3A_378 = vector.shape_cast %mul3A_373 : vector<16xf32> to vector<1x16xf32>
        tpu.vector_store %arg7[%swap3A_374, %swap3A_375], %swap3A_378 {strides = array<i32>} : memref<200x128xf32, #tpu.memory_space<vmem>>, vector<1x16xf32>,
        %get3A_379 = arith.index_cast %add3A_342 : i32 to index
        %get3A_380 = arith.constant 48 : index
        %get3A_381 = tpu.vector_load %arg7[%get3A_379, %get3A_380] {strides = array<i32>} : memref<200x128xf32, #tpu.memory_space<vmem>>, vector<1x16xf32>,
        %get3A_382 = vector.shape_cast %get3A_381 : vector<1x16xf32> to vector<16xf32>
        %mul3A_383 = arith.constant 8.000000e+00 : f32
        %mul3A_384 = vector.broadcast %mul3A_383 : f32 to vector<16xf32>
        %mul3A_385 = arith.mulf %get3A_382, %mul3A_384 : vector<16xf32>
        %swap3A_386 = arith.index_cast %add3A_342 : i32 to index
        %swap3A_387 = arith.constant 48 : index
        %swap3A_388 = tpu.vector_load %arg7[%swap3A_386, %swap3A_387] {strides = array<i32>} : memref<200x128xf32, #tpu.memory_space<vmem>>, vector<1x16xf32>,
        %swap3A_389 = vector.shape_cast %swap3A_388 : vector<1x16xf32> to vector<16xf32>
        %swap3A_390 = vector.shape_cast %mul3A_385 : vector<16xf32> to vector<1x16xf32>
        tpu.vector_store %arg7[%swap3A_386, %swap3A_387], %swap3A_390 {strides = array<i32>} : memref<200x128xf32, #tpu.memory_space<vmem>>, vector<1x16xf32>,
      }
      %scan3A_110 = arith.constant 50 : i32
      %add3A_111 = arith.addi %mul3A_2, %add3A_91 : i32
      %dma_start3A_112 = arith.constant 0 : i32
      %dma_start3A_113 = arith.constant 0 : i32
      %dma_start3A_114 = tpu.memref_slice %arg4[%add3A_111, %dma_start3A_112, %dma_start3A_113] : memref<4096x200x128xf32, #tpu.memory_space<hbm>> -> memref<1x200x128xf32, #tpu.memory_space<hbm>>
      %dma_start3A_115 = tpu.memref_squeeze %dma_start3A_114 : memref<1x200x128xf32, #tpu.memory_space<hbm>> -> memref<200x128xf32, #tpu.memory_space<hbm>>
      %dma_start3A_116 = arith.constant 0 : i32
      %dma_start3A_117 = arith.constant 0 : i32
      %dma_start3A_118 = tpu.memref_slice %arg4[%add3A_111, %dma_start3A_116, %dma_start3A_117] : memref<4096x200x128xf32, #tpu.memory_space<hbm>> -> memref<1x200x128xf32, #tpu.memory_space<hbm>>
      %dma_start3A_119 = tpu.memref_squeeze %dma_start3A_118 : memref<1x200x128xf32, #tpu.memory_space<hbm>> -> memref<200x128xf32, #tpu.memory_space<hbm>>
      tpu.enqueue_dma source(%arg7 : memref<200x128xf32, #tpu.memory_space<vmem>>) target(%dma_start3A_119 : memref<200x128xf32, #tpu.memory_space<hbm>>) target_semaphore(%arg15 : memref<!tpu.dma_semaphore, #tpu.memory_space<semaphore_mem>>)
      %mul3A_120 = arith.constant 4 : i32
      %mul3A_121 = arith.muli %scan3A_58, %mul3A_120 : i32
      %add3A_122 = arith.constant 2 : i32
      %add3A_123 = arith.addi %mul3A_121, %add3A_122 : i32
      %add3A_124 = arith.constant 2 : i32
      %add3A_125 = arith.addi %add3A_123, %add3A_124 : i32
      %lt3A_126 = arith.constant 128 : i32
      %lt3A_127 = arith.cmpi slt, %add3A_125, %lt3A_126 : i32
      %convert_element_type3A_128 = arith.extui %lt3A_127 : i1 to i32
      %cond3A_129 = arith.constant 0 : i32
      %cond3A_130 = arith.cmpi ne, %convert_element_type3A_128, %cond3A_129 : i32
      scf.if %cond3A_130 {
        %ge3A = arith.constant 2 : i32
        %ge3A_184 = arith.cmpi sge, %add3A_123, %ge3A : i32
        %convert_element_type3A_185 = arith.extui %ge3A_184 : i1 to i32
        %cond3A_186 = arith.constant 0 : i32
        %cond3A_187 = arith.cmpi ne, %convert_element_type3A_185, %cond3A_186 : i32
        scf.if %cond3A_187 {
          %sub3A = arith.constant 2 : i32
          %sub3A_196 = arith.subi %add3A_123, %sub3A : i32
          %add3A_197 = arith.addi %mul3A_2, %sub3A_196 : i32
          %dma_wait3A_198 = arith.constant 0 : i32
          %dma_wait3A_199 = arith.constant 0 : i32
          %dma_wait3A_200 = tpu.memref_slice %arg4[%add3A_197, %dma_wait3A_198, %dma_wait3A_199] : memref<4096x200x128xf32, #tpu.memory_space<hbm>> -> memref<1x200x128xf32, #tpu.memory_space<hbm>>
          %dma_wait3A_201 = tpu.memref_squeeze %dma_wait3A_200 : memref<1x200x128xf32, #tpu.memory_space<hbm>> -> memref<200x128xf32, #tpu.memory_space<hbm>>
          %dma_wait3A_202 = arith.constant 0 : i32
          %dma_wait3A_203 = arith.constant 0 : i32
          %dma_wait3A_204 = tpu.memref_slice %arg4[%add3A_197, %dma_wait3A_202, %dma_wait3A_203] : memref<4096x200x128xf32, #tpu.memory_space<hbm>> -> memref<1x200x128xf32, #tpu.memory_space<hbm>>
          %dma_wait3A_205 = tpu.memref_squeeze %dma_wait3A_204 : memref<1x200x128xf32, #tpu.memory_space<hbm>> -> memref<200x128xf32, #tpu.memory_space<hbm>>
          tpu.wait_dma2 semaphore(%arg14 : memref<!tpu.dma_semaphore, #tpu.memory_space<semaphore_mem>>) src(%arg6 : memref<200x128xf32, #tpu.memory_space<vmem>>) dst(%dma_wait3A_205 : memref<200x128xf32, #tpu.memory_space<hbm>>)
        } else {
        }
        %add3A_188 = arith.constant 2 : i32
        %add3A_189 = arith.addi %add3A_123, %add3A_188 : i32
        %mul3A_190 = arith.constant 200 : i32
        %mul3A_191 = arith.muli %add3A_189, %mul3A_190 : i32
        %dma_start3A_192 = tpu.memref_slice %arg5[%mul3A_191] : memref<25600xi32, #tpu.memory_space<vmem>> -> memref<200xi32, #tpu.memory_space<vmem>>
        %dma_start3A_193 = arith.constant 0 : i32
        %dma_start3A_194 = arith.constant 0 : i32
        %dma_start3A_195 = tpu.memref_slice %arg3[%dma_start3A_193, %dma_start3A_194] : memref<1000000x128xf32, #tpu.memory_space<hbm>> -> memref<1000000x128xf32, #tpu.memory_space<hbm>>
        tpu.enqueue_indirect_dma source(%dma_start3A_195 : memref<1000000x128xf32, #tpu.memory_space<hbm>>) target(%arg6 : memref<200x128xf32, #tpu.memory_space<vmem>>) offsets(%dma_start3A_192 : memref<200xi32, #tpu.memory_space<vmem>>) semaphore(%arg10 : memref<!tpu.dma_semaphore, #tpu.memory_space<semaphore_mem>>)
      } else {
      }
      %mul3A_131 = arith.constant 200 : i32
      %mul3A_132 = arith.muli %add3A_123, %mul3A_131 : i32
      %dma_wait3A_133 = tpu.memref_slice %arg5[%mul3A_132] : memref<25600xi32, #tpu.memory_space<vmem>> -> memref<200xi32, #tpu.memory_space<vmem>>
      %dma_wait3A_134 = arith.constant 0 : i32
      %dma_wait3A_135 = arith.constant 0 : i32
      %dma_wait3A_136 = tpu.memref_slice %arg3[%dma_wait3A_134, %dma_wait3A_135] : memref<1000000x128xf32, #tpu.memory_space<hbm>> -> memref<1000000x128xf32, #tpu.memory_space<hbm>>
      tpu.wait_indirect_dma semaphore(%arg12 : memref<!tpu.dma_semaphore, #tpu.memory_space<semaphore_mem>>) src(%dma_wait3A_136 : memref<1000000x128xf32, #tpu.memory_space<hbm>>) dst(%arg8 : memref<200x128xf32, #tpu.memory_space<vmem>>)
      %scan3A_137 = arith.constant 0 : i32
      %scan3A_138 = arith.constant 0 : i32
      %scan3A_139 = arith.constant 50 : i32
      %scan3A_140 = arith.addi %scan3A_138, %scan3A_139 : i32
      %scan3A_141 = arith.constant 1 : i32
      scf.for %scan3A_184 = %scan3A_138 to %scan3A_140 step %scan3A_141  : i32 {
        %mul3A_185 = arith.constant 4 : i32
        %mul3A_186 = arith.muli %scan3A_184, %mul3A_185 : i32
        %add3A_187 = arith.constant 0 : i32
        %add3A_188 = arith.addi %mul3A_186, %add3A_187 : i32
        %get3A = arith.index_cast %add3A_188 : i32 to index
        %get3A_189 = arith.constant 0 : index
        %get3A_190 = tpu.vector_load %arg8[%get3A, %get3A_189] {strides = array<i32>} : memref<200x128xf32, #tpu.memory_space<vmem>>, vector<1x16xf32>,
        %get3A_191 = vector.shape_cast %get3A_190 : vector<1x16xf32> to vector<16xf32>
        %mul3A_192 = arith.constant 8.000000e+00 : f32
        %mul3A_193 = vector.broadcast %mul3A_192 : f32 to vector<16xf32>
        %mul3A_194 = arith.mulf %get3A_191, %mul3A_193 : vector<16xf32>
        %swap3A = arith.index_cast %add3A_188 : i32 to index
        %swap3A_195 = arith.constant 0 : index
        %swap3A_196 = tpu.vector_load %arg8[%swap3A, %swap3A_195] {strides = array<i32>} : memref<200x128xf32, #tpu.memory_space<vmem>>, vector<1x16xf32>,
        %swap3A_197 = vector.shape_cast %swap3A_196 : vector<1x16xf32> to vector<16xf32>
        %swap3A_198 = vector.shape_cast %mul3A_194 : vector<16xf32> to vector<1x16xf32>
        tpu.vector_store %arg8[%swap3A, %swap3A_195], %swap3A_198 {strides = array<i32>} : memref<200x128xf32, #tpu.memory_space<vmem>>, vector<1x16xf32>,
        %get3A_199 = arith.index_cast %add3A_188 : i32 to index
        %get3A_200 = arith.constant 16 : index
        %get3A_201 = tpu.vector_load %arg8[%get3A_199, %get3A_200] {strides = array<i32>} : memref<200x128xf32, #tpu.memory_space<vmem>>, vector<1x16xf32>,
        %get3A_202 = vector.shape_cast %get3A_201 : vector<1x16xf32> to vector<16xf32>
        %mul3A_203 = arith.constant 8.000000e+00 : f32
        %mul3A_204 = vector.broadcast %mul3A_203 : f32 to vector<16xf32>
        %mul3A_205 = arith.mulf %get3A_202, %mul3A_204 : vector<16xf32>
        %swap3A_206 = arith.index_cast %add3A_188 : i32 to index
        %swap3A_207 = arith.constant 16 : index
        %swap3A_208 = tpu.vector_load %arg8[%swap3A_206, %swap3A_207] {strides = array<i32>} : memref<200x128xf32, #tpu.memory_space<vmem>>, vector<1x16xf32>,
        %swap3A_209 = vector.shape_cast %swap3A_208 : vector<1x16xf32> to vector<16xf32>
        %swap3A_210 = vector.shape_cast %mul3A_205 : vector<16xf32> to vector<1x16xf32>
        tpu.vector_store %arg8[%swap3A_206, %swap3A_207], %swap3A_210 {strides = array<i32>} : memref<200x128xf32, #tpu.memory_space<vmem>>, vector<1x16xf32>,
        %get3A_211 = arith.index_cast %add3A_188 : i32 to index
        %get3A_212 = arith.constant 32 : index
        %get3A_213 = tpu.vector_load %arg8[%get3A_211, %get3A_212] {strides = array<i32>} : memref<200x128xf32, #tpu.memory_space<vmem>>, vector<1x16xf32>,
        %get3A_214 = vector.shape_cast %get3A_213 : vector<1x16xf32> to vector<16xf32>
        %mul3A_215 = arith.constant 8.000000e+00 : f32
        %mul3A_216 = vector.broadcast %mul3A_215 : f32 to vector<16xf32>
        %mul3A_217 = arith.mulf %get3A_214, %mul3A_216 : vector<16xf32>
        %swap3A_218 = arith.index_cast %add3A_188 : i32 to index
        %swap3A_219 = arith.constant 32 : index
        %swap3A_220 = tpu.vector_load %arg8[%swap3A_218, %swap3A_219] {strides = array<i32>} : memref<200x128xf32, #tpu.memory_space<vmem>>, vector<1x16xf32>,
        %swap3A_221 = vector.shape_cast %swap3A_220 : vector<1x16xf32> to vector<16xf32>
        %swap3A_222 = vector.shape_cast %mul3A_217 : vector<16xf32> to vector<1x16xf32>
        tpu.vector_store %arg8[%swap3A_218, %swap3A_219], %swap3A_222 {strides = array<i32>} : memref<200x128xf32, #tpu.memory_space<vmem>>, vector<1x16xf32>,
        %get3A_223 = arith.index_cast %add3A_188 : i32 to index
        %get3A_224 = arith.constant 48 : index
        %get3A_225 = tpu.vector_load %arg8[%get3A_223, %get3A_224] {strides = array<i32>} : memref<200x128xf32, #tpu.memory_space<vmem>>, vector<1x16xf32>,
        %get3A_226 = vector.shape_cast %get3A_225 : vector<1x16xf32> to vector<16xf32>
        %mul3A_227 = arith.constant 8.000000e+00 : f32
        %mul3A_228 = vector.broadcast %mul3A_227 : f32 to vector<16xf32>
        %mul3A_229 = arith.mulf %get3A_226, %mul3A_228 : vector<16xf32>
        %swap3A_230 = arith.index_cast %add3A_188 : i32 to index
        %swap3A_231 = arith.constant 48 : index
        %swap3A_232 = tpu.vector_load %arg8[%swap3A_230, %swap3A_231] {strides = array<i32>} : memref<200x128xf32, #tpu.memory_space<vmem>>, vector<1x16xf32>,
        %swap3A_233 = vector.shape_cast %swap3A_232 : vector<1x16xf32> to vector<16xf32>
        %swap3A_234 = vector.shape_cast %mul3A_229 : vector<16xf32> to vector<1x16xf32>
        tpu.vector_store %arg8[%swap3A_230, %swap3A_231], %swap3A_234 {strides = array<i32>} : memref<200x128xf32, #tpu.memory_space<vmem>>, vector<1x16xf32>,
        %mul3A_235 = arith.constant 4 : i32
        %mul3A_236 = arith.muli %scan3A_184, %mul3A_235 : i32
        %add3A_237 = arith.constant 1 : i32
        %add3A_238 = arith.addi %mul3A_236, %add3A_237 : i32
        %get3A_239 = arith.index_cast %add3A_238 : i32 to index
        %get3A_240 = arith.constant 0 : index
        %get3A_241 = tpu.vector_load %arg8[%get3A_239, %get3A_240] {strides = array<i32>} : memref<200x128xf32, #tpu.memory_space<vmem>>, vector<1x16xf32>,
        %get3A_242 = vector.shape_cast %get3A_241 : vector<1x16xf32> to vector<16xf32>
        %mul3A_243 = arith.constant 8.000000e+00 : f32
        %mul3A_244 = vector.broadcast %mul3A_243 : f32 to vector<16xf32>
        %mul3A_245 = arith.mulf %get3A_242, %mul3A_244 : vector<16xf32>
        %swap3A_246 = arith.index_cast %add3A_238 : i32 to index
        %swap3A_247 = arith.constant 0 : index
        %swap3A_248 = tpu.vector_load %arg8[%swap3A_246, %swap3A_247] {strides = array<i32>} : memref<200x128xf32, #tpu.memory_space<vmem>>, vector<1x16xf32>,
        %swap3A_249 = vector.shape_cast %swap3A_248 : vector<1x16xf32> to vector<16xf32>
        %swap3A_250 = vector.shape_cast %mul3A_245 : vector<16xf32> to vector<1x16xf32>
        tpu.vector_store %arg8[%swap3A_246, %swap3A_247], %swap3A_250 {strides = array<i32>} : memref<200x128xf32, #tpu.memory_space<vmem>>, vector<1x16xf32>,
        %get3A_251 = arith.index_cast %add3A_238 : i32 to index
        %get3A_252 = arith.constant 16 : index
        %get3A_253 = tpu.vector_load %arg8[%get3A_251, %get3A_252] {strides = array<i32>} : memref<200x128xf32, #tpu.memory_space<vmem>>, vector<1x16xf32>,
        %get3A_254 = vector.shape_cast %get3A_253 : vector<1x16xf32> to vector<16xf32>
        %mul3A_255 = arith.constant 8.000000e+00 : f32
        %mul3A_256 = vector.broadcast %mul3A_255 : f32 to vector<16xf32>
        %mul3A_257 = arith.mulf %get3A_254, %mul3A_256 : vector<16xf32>
        %swap3A_258 = arith.index_cast %add3A_238 : i32 to index
        %swap3A_259 = arith.constant 16 : index
        %swap3A_260 = tpu.vector_load %arg8[%swap3A_258, %swap3A_259] {strides = array<i32>} : memref<200x128xf32, #tpu.memory_space<vmem>>, vector<1x16xf32>,
        %swap3A_261 = vector.shape_cast %swap3A_260 : vector<1x16xf32> to vector<16xf32>
        %swap3A_262 = vector.shape_cast %mul3A_257 : vector<16xf32> to vector<1x16xf32>
        tpu.vector_store %arg8[%swap3A_258, %swap3A_259], %swap3A_262 {strides = array<i32>} : memref<200x128xf32, #tpu.memory_space<vmem>>, vector<1x16xf32>,
        %get3A_263 = arith.index_cast %add3A_238 : i32 to index
        %get3A_264 = arith.constant 32 : index
        %get3A_265 = tpu.vector_load %arg8[%get3A_263, %get3A_264] {strides = array<i32>} : memref<200x128xf32, #tpu.memory_space<vmem>>, vector<1x16xf32>,
        %get3A_266 = vector.shape_cast %get3A_265 : vector<1x16xf32> to vector<16xf32>
        %mul3A_267 = arith.constant 8.000000e+00 : f32
        %mul3A_268 = vector.broadcast %mul3A_267 : f32 to vector<16xf32>
        %mul3A_269 = arith.mulf %get3A_266, %mul3A_268 : vector<16xf32>
        %swap3A_270 = arith.index_cast %add3A_238 : i32 to index
        %swap3A_271 = arith.constant 32 : index
        %swap3A_272 = tpu.vector_load %arg8[%swap3A_270, %swap3A_271] {strides = array<i32>} : memref<200x128xf32, #tpu.memory_space<vmem>>, vector<1x16xf32>,
        %swap3A_273 = vector.shape_cast %swap3A_272 : vector<1x16xf32> to vector<16xf32>
        %swap3A_274 = vector.shape_cast %mul3A_269 : vector<16xf32> to vector<1x16xf32>
        tpu.vector_store %arg8[%swap3A_270, %swap3A_271], %swap3A_274 {strides = array<i32>} : memref<200x128xf32, #tpu.memory_space<vmem>>, vector<1x16xf32>,
        %get3A_275 = arith.index_cast %add3A_238 : i32 to index
        %get3A_276 = arith.constant 48 : index
        %get3A_277 = tpu.vector_load %arg8[%get3A_275, %get3A_276] {strides = array<i32>} : memref<200x128xf32, #tpu.memory_space<vmem>>, vector<1x16xf32>,
        %get3A_278 = vector.shape_cast %get3A_277 : vector<1x16xf32> to vector<16xf32>
        %mul3A_279 = arith.constant 8.000000e+00 : f32
        %mul3A_280 = vector.broadcast %mul3A_279 : f32 to vector<16xf32>
        %mul3A_281 = arith.mulf %get3A_278, %mul3A_280 : vector<16xf32>
        %swap3A_282 = arith.index_cast %add3A_238 : i32 to index
        %swap3A_283 = arith.constant 48 : index
        %swap3A_284 = tpu.vector_load %arg8[%swap3A_282, %swap3A_283] {strides = array<i32>} : memref<200x128xf32, #tpu.memory_space<vmem>>, vector<1x16xf32>,
        %swap3A_285 = vector.shape_cast %swap3A_284 : vector<1x16xf32> to vector<16xf32>
        %swap3A_286 = vector.shape_cast %mul3A_281 : vector<16xf32> to vector<1x16xf32>
        tpu.vector_store %arg8[%swap3A_282, %swap3A_283], %swap3A_286 {strides = array<i32>} : memref<200x128xf32, #tpu.memory_space<vmem>>, vector<1x16xf32>,
        %mul3A_287 = arith.constant 4 : i32
        %mul3A_288 = arith.muli %scan3A_184, %mul3A_287 : i32
        %add3A_289 = arith.constant 2 : i32
        %add3A_290 = arith.addi %mul3A_288, %add3A_289 : i32
        %get3A_291 = arith.index_cast %add3A_290 : i32 to index
        %get3A_292 = arith.constant 0 : index
        %get3A_293 = tpu.vector_load %arg8[%get3A_291, %get3A_292] {strides = array<i32>} : memref<200x128xf32, #tpu.memory_space<vmem>>, vector<1x16xf32>,
        %get3A_294 = vector.shape_cast %get3A_293 : vector<1x16xf32> to vector<16xf32>
        %mul3A_295 = arith.constant 8.000000e+00 : f32
        %mul3A_296 = vector.broadcast %mul3A_295 : f32 to vector<16xf32>
        %mul3A_297 = arith.mulf %get3A_294, %mul3A_296 : vector<16xf32>
        %swap3A_298 = arith.index_cast %add3A_290 : i32 to index
        %swap3A_299 = arith.constant 0 : index
        %swap3A_300 = tpu.vector_load %arg8[%swap3A_298, %swap3A_299] {strides = array<i32>} : memref<200x128xf32, #tpu.memory_space<vmem>>, vector<1x16xf32>,
        %swap3A_301 = vector.shape_cast %swap3A_300 : vector<1x16xf32> to vector<16xf32>
        %swap3A_302 = vector.shape_cast %mul3A_297 : vector<16xf32> to vector<1x16xf32>
        tpu.vector_store %arg8[%swap3A_298, %swap3A_299], %swap3A_302 {strides = array<i32>} : memref<200x128xf32, #tpu.memory_space<vmem>>, vector<1x16xf32>,
        %get3A_303 = arith.index_cast %add3A_290 : i32 to index
        %get3A_304 = arith.constant 16 : index
        %get3A_305 = tpu.vector_load %arg8[%get3A_303, %get3A_304] {strides = array<i32>} : memref<200x128xf32, #tpu.memory_space<vmem>>, vector<1x16xf32>,
        %get3A_306 = vector.shape_cast %get3A_305 : vector<1x16xf32> to vector<16xf32>
        %mul3A_307 = arith.constant 8.000000e+00 : f32
        %mul3A_308 = vector.broadcast %mul3A_307 : f32 to vector<16xf32>
        %mul3A_309 = arith.mulf %get3A_306, %mul3A_308 : vector<16xf32>
        %swap3A_310 = arith.index_cast %add3A_290 : i32 to index
        %swap3A_311 = arith.constant 16 : index
        %swap3A_312 = tpu.vector_load %arg8[%swap3A_310, %swap3A_311] {strides = array<i32>} : memref<200x128xf32, #tpu.memory_space<vmem>>, vector<1x16xf32>,
        %swap3A_313 = vector.shape_cast %swap3A_312 : vector<1x16xf32> to vector<16xf32>
        %swap3A_314 = vector.shape_cast %mul3A_309 : vector<16xf32> to vector<1x16xf32>
        tpu.vector_store %arg8[%swap3A_310, %swap3A_311], %swap3A_314 {strides = array<i32>} : memref<200x128xf32, #tpu.memory_space<vmem>>, vector<1x16xf32>,
        %get3A_315 = arith.index_cast %add3A_290 : i32 to index
        %get3A_316 = arith.constant 32 : index
        %get3A_317 = tpu.vector_load %arg8[%get3A_315, %get3A_316] {strides = array<i32>} : memref<200x128xf32, #tpu.memory_space<vmem>>, vector<1x16xf32>,
        %get3A_318 = vector.shape_cast %get3A_317 : vector<1x16xf32> to vector<16xf32>
        %mul3A_319 = arith.constant 8.000000e+00 : f32
        %mul3A_320 = vector.broadcast %mul3A_319 : f32 to vector<16xf32>
        %mul3A_321 = arith.mulf %get3A_318, %mul3A_320 : vector<16xf32>
        %swap3A_322 = arith.index_cast %add3A_290 : i32 to index
        %swap3A_323 = arith.constant 32 : index
        %swap3A_324 = tpu.vector_load %arg8[%swap3A_322, %swap3A_323] {strides = array<i32>} : memref<200x128xf32, #tpu.memory_space<vmem>>, vector<1x16xf32>,
        %swap3A_325 = vector.shape_cast %swap3A_324 : vector<1x16xf32> to vector<16xf32>
        %swap3A_326 = vector.shape_cast %mul3A_321 : vector<16xf32> to vector<1x16xf32>
        tpu.vector_store %arg8[%swap3A_322, %swap3A_323], %swap3A_326 {strides = array<i32>} : memref<200x128xf32, #tpu.memory_space<vmem>>, vector<1x16xf32>,
        %get3A_327 = arith.index_cast %add3A_290 : i32 to index
        %get3A_328 = arith.constant 48 : index
        %get3A_329 = tpu.vector_load %arg8[%get3A_327, %get3A_328] {strides = array<i32>} : memref<200x128xf32, #tpu.memory_space<vmem>>, vector<1x16xf32>,
        %get3A_330 = vector.shape_cast %get3A_329 : vector<1x16xf32> to vector<16xf32>
        %mul3A_331 = arith.constant 8.000000e+00 : f32
        %mul3A_332 = vector.broadcast %mul3A_331 : f32 to vector<16xf32>
        %mul3A_333 = arith.mulf %get3A_330, %mul3A_332 : vector<16xf32>
        %swap3A_334 = arith.index_cast %add3A_290 : i32 to index
        %swap3A_335 = arith.constant 48 : index
        %swap3A_336 = tpu.vector_load %arg8[%swap3A_334, %swap3A_335] {strides = array<i32>} : memref<200x128xf32, #tpu.memory_space<vmem>>, vector<1x16xf32>,
        %swap3A_337 = vector.shape_cast %swap3A_336 : vector<1x16xf32> to vector<16xf32>
        %swap3A_338 = vector.shape_cast %mul3A_333 : vector<16xf32> to vector<1x16xf32>
        tpu.vector_store %arg8[%swap3A_334, %swap3A_335], %swap3A_338 {strides = array<i32>} : memref<200x128xf32, #tpu.memory_space<vmem>>, vector<1x16xf32>,
        %mul3A_339 = arith.constant 4 : i32
        %mul3A_340 = arith.muli %scan3A_184, %mul3A_339 : i32
        %add3A_341 = arith.constant 3 : i32
        %add3A_342 = arith.addi %mul3A_340, %add3A_341 : i32
        %get3A_343 = arith.index_cast %add3A_342 : i32 to index
        %get3A_344 = arith.constant 0 : index
        %get3A_345 = tpu.vector_load %arg8[%get3A_343, %get3A_344] {strides = array<i32>} : memref<200x128xf32, #tpu.memory_space<vmem>>, vector<1x16xf32>,
        %get3A_346 = vector.shape_cast %get3A_345 : vector<1x16xf32> to vector<16xf32>
        %mul3A_347 = arith.constant 8.000000e+00 : f32
        %mul3A_348 = vector.broadcast %mul3A_347 : f32 to vector<16xf32>
        %mul3A_349 = arith.mulf %get3A_346, %mul3A_348 : vector<16xf32>
        %swap3A_350 = arith.index_cast %add3A_342 : i32 to index
        %swap3A_351 = arith.constant 0 : index
        %swap3A_352 = tpu.vector_load %arg8[%swap3A_350, %swap3A_351] {strides = array<i32>} : memref<200x128xf32, #tpu.memory_space<vmem>>, vector<1x16xf32>,
        %swap3A_353 = vector.shape_cast %swap3A_352 : vector<1x16xf32> to vector<16xf32>
        %swap3A_354 = vector.shape_cast %mul3A_349 : vector<16xf32> to vector<1x16xf32>
        tpu.vector_store %arg8[%swap3A_350, %swap3A_351], %swap3A_354 {strides = array<i32>} : memref<200x128xf32, #tpu.memory_space<vmem>>, vector<1x16xf32>,
        %get3A_355 = arith.index_cast %add3A_342 : i32 to index
        %get3A_356 = arith.constant 16 : index
        %get3A_357 = tpu.vector_load %arg8[%get3A_355, %get3A_356] {strides = array<i32>} : memref<200x128xf32, #tpu.memory_space<vmem>>, vector<1x16xf32>,
        %get3A_358 = vector.shape_cast %get3A_357 : vector<1x16xf32> to vector<16xf32>
        %mul3A_359 = arith.constant 8.000000e+00 : f32
        %mul3A_360 = vector.broadcast %mul3A_359 : f32 to vector<16xf32>
        %mul3A_361 = arith.mulf %get3A_358, %mul3A_360 : vector<16xf32>
        %swap3A_362 = arith.index_cast %add3A_342 : i32 to index
        %swap3A_363 = arith.constant 16 : index
        %swap3A_364 = tpu.vector_load %arg8[%swap3A_362, %swap3A_363] {strides = array<i32>} : memref<200x128xf32, #tpu.memory_space<vmem>>, vector<1x16xf32>,
        %swap3A_365 = vector.shape_cast %swap3A_364 : vector<1x16xf32> to vector<16xf32>
        %swap3A_366 = vector.shape_cast %mul3A_361 : vector<16xf32> to vector<1x16xf32>
        tpu.vector_store %arg8[%swap3A_362, %swap3A_363], %swap3A_366 {strides = array<i32>} : memref<200x128xf32, #tpu.memory_space<vmem>>, vector<1x16xf32>,
        %get3A_367 = arith.index_cast %add3A_342 : i32 to index
        %get3A_368 = arith.constant 32 : index
        %get3A_369 = tpu.vector_load %arg8[%get3A_367, %get3A_368] {strides = array<i32>} : memref<200x128xf32, #tpu.memory_space<vmem>>, vector<1x16xf32>,
        %get3A_370 = vector.shape_cast %get3A_369 : vector<1x16xf32> to vector<16xf32>
        %mul3A_371 = arith.constant 8.000000e+00 : f32
        %mul3A_372 = vector.broadcast %mul3A_371 : f32 to vector<16xf32>
        %mul3A_373 = arith.mulf %get3A_370, %mul3A_372 : vector<16xf32>
        %swap3A_374 = arith.index_cast %add3A_342 : i32 to index
        %swap3A_375 = arith.constant 32 : index
        %swap3A_376 = tpu.vector_load %arg8[%swap3A_374, %swap3A_375] {strides = array<i32>} : memref<200x128xf32, #tpu.memory_space<vmem>>, vector<1x16xf32>,
        %swap3A_377 = vector.shape_cast %swap3A_376 : vector<1x16xf32> to vector<16xf32>
        %swap3A_378 = vector.shape_cast %mul3A_373 : vector<16xf32> to vector<1x16xf32>
        tpu.vector_store %arg8[%swap3A_374, %swap3A_375], %swap3A_378 {strides = array<i32>} : memref<200x128xf32, #tpu.memory_space<vmem>>, vector<1x16xf32>,
        %get3A_379 = arith.index_cast %add3A_342 : i32 to index
        %get3A_380 = arith.constant 48 : index
        %get3A_381 = tpu.vector_load %arg8[%get3A_379, %get3A_380] {strides = array<i32>} : memref<200x128xf32, #tpu.memory_space<vmem>>, vector<1x16xf32>,
        %get3A_382 = vector.shape_cast %get3A_381 : vector<1x16xf32> to vector<16xf32>
        %mul3A_383 = arith.constant 8.000000e+00 : f32
        %mul3A_384 = vector.broadcast %mul3A_383 : f32 to vector<16xf32>
        %mul3A_385 = arith.mulf %get3A_382, %mul3A_384 : vector<16xf32>
        %swap3A_386 = arith.index_cast %add3A_342 : i32 to index
        %swap3A_387 = arith.constant 48 : index
        %swap3A_388 = tpu.vector_load %arg8[%swap3A_386, %swap3A_387] {strides = array<i32>} : memref<200x128xf32, #tpu.memory_space<vmem>>, vector<1x16xf32>,
        %swap3A_389 = vector.shape_cast %swap3A_388 : vector<1x16xf32> to vector<16xf32>
        %swap3A_390 = vector.shape_cast %mul3A_385 : vector<16xf32> to vector<1x16xf32>
        tpu.vector_store %arg8[%swap3A_386, %swap3A_387], %swap3A_390 {strides = array<i32>} : memref<200x128xf32, #tpu.memory_space<vmem>>, vector<1x16xf32>,
      }
      %scan3A_142 = arith.constant 50 : i32
      %add3A_143 = arith.addi %mul3A_2, %add3A_123 : i32
      %dma_start3A_144 = arith.constant 0 : i32
      %dma_start3A_145 = arith.constant 0 : i32
      %dma_start3A_146 = tpu.memref_slice %arg4[%add3A_143, %dma_start3A_144, %dma_start3A_145] : memref<4096x200x128xf32, #tpu.memory_space<hbm>> -> memref<1x200x128xf32, #tpu.memory_space<hbm>>
      %dma_start3A_147 = tpu.memref_squeeze %dma_start3A_146 : memref<1x200x128xf32, #tpu.memory_space<hbm>> -> memref<200x128xf32, #tpu.memory_space<hbm>>
      %dma_start3A_148 = arith.constant 0 : i32
      %dma_start3A_149 = arith.constant 0 : i32
      %dma_start3A_150 = tpu.memref_slice %arg4[%add3A_143, %dma_start3A_148, %dma_start3A_149] : memref<4096x200x128xf32, #tpu.memory_space<hbm>> -> memref<1x200x128xf32, #tpu.memory_space<hbm>>
      %dma_start3A_151 = tpu.memref_squeeze %dma_start3A_150 : memref<1x200x128xf32, #tpu.memory_space<hbm>> -> memref<200x128xf32, #tpu.memory_space<hbm>>
      tpu.enqueue_dma source(%arg8 : memref<200x128xf32, #tpu.memory_space<vmem>>) target(%dma_start3A_151 : memref<200x128xf32, #tpu.memory_space<hbm>>) target_semaphore(%arg16 : memref<!tpu.dma_semaphore, #tpu.memory_space<semaphore_mem>>)
      %mul3A_152 = arith.constant 4 : i32
      %mul3A_153 = arith.muli %scan3A_58, %mul3A_152 : i32
      %add3A_154 = arith.constant 3 : i32
      %add3A_155 = arith.addi %mul3A_153, %add3A_154 : i32
      %add3A_156 = arith.constant 2 : i32
      %add3A_157 = arith.addi %add3A_155, %add3A_156 : i32
      %lt3A_158 = arith.constant 128 : i32
      %lt3A_159 = arith.cmpi slt, %add3A_157, %lt3A_158 : i32
      %convert_element_type3A_160 = arith.extui %lt3A_159 : i1 to i32
      %cond3A_161 = arith.constant 0 : i32
      %cond3A_162 = arith.cmpi ne, %convert_element_type3A_160, %cond3A_161 : i32
      scf.if %cond3A_162 {
        %ge3A = arith.constant 2 : i32
        %ge3A_184 = arith.cmpi sge, %add3A_155, %ge3A : i32
        %convert_element_type3A_185 = arith.extui %ge3A_184 : i1 to i32
        %cond3A_186 = arith.constant 0 : i32
        %cond3A_187 = arith.cmpi ne, %convert_element_type3A_185, %cond3A_186 : i32
        scf.if %cond3A_187 {
          %sub3A = arith.constant 2 : i32
          %sub3A_196 = arith.subi %add3A_155, %sub3A : i32
          %add3A_197 = arith.addi %mul3A_2, %sub3A_196 : i32
          %dma_wait3A_198 = arith.constant 0 : i32
          %dma_wait3A_199 = arith.constant 0 : i32
          %dma_wait3A_200 = tpu.memref_slice %arg4[%add3A_197, %dma_wait3A_198, %dma_wait3A_199] : memref<4096x200x128xf32, #tpu.memory_space<hbm>> -> memref<1x200x128xf32, #tpu.memory_space<hbm>>
          %dma_wait3A_201 = tpu.memref_squeeze %dma_wait3A_200 : memref<1x200x128xf32, #tpu.memory_space<hbm>> -> memref<200x128xf32, #tpu.memory_space<hbm>>
          %dma_wait3A_202 = arith.constant 0 : i32
          %dma_wait3A_203 = arith.constant 0 : i32
          %dma_wait3A_204 = tpu.memref_slice %arg4[%add3A_197, %dma_wait3A_202, %dma_wait3A_203] : memref<4096x200x128xf32, #tpu.memory_space<hbm>> -> memref<1x200x128xf32, #tpu.memory_space<hbm>>
          %dma_wait3A_205 = tpu.memref_squeeze %dma_wait3A_204 : memref<1x200x128xf32, #tpu.memory_space<hbm>> -> memref<200x128xf32, #tpu.memory_space<hbm>>
          tpu.wait_dma2 semaphore(%arg15 : memref<!tpu.dma_semaphore, #tpu.memory_space<semaphore_mem>>) src(%arg7 : memref<200x128xf32, #tpu.memory_space<vmem>>) dst(%dma_wait3A_205 : memref<200x128xf32, #tpu.memory_space<hbm>>)
        } else {
        }
        %add3A_188 = arith.constant 2 : i32
        %add3A_189 = arith.addi %add3A_155, %add3A_188 : i32
        %mul3A_190 = arith.constant 200 : i32
        %mul3A_191 = arith.muli %add3A_189, %mul3A_190 : i32
        %dma_start3A_192 = tpu.memref_slice %arg5[%mul3A_191] : memref<25600xi32, #tpu.memory_space<vmem>> -> memref<200xi32, #tpu.memory_space<vmem>>
        %dma_start3A_193 = arith.constant 0 : i32
        %dma_start3A_194 = arith.constant 0 : i32
        %dma_start3A_195 = tpu.memref_slice %arg3[%dma_start3A_193, %dma_start3A_194] : memref<1000000x128xf32, #tpu.memory_space<hbm>> -> memref<1000000x128xf32, #tpu.memory_space<hbm>>
        tpu.enqueue_indirect_dma source(%dma_start3A_195 : memref<1000000x128xf32, #tpu.memory_space<hbm>>) target(%arg7 : memref<200x128xf32, #tpu.memory_space<vmem>>) offsets(%dma_start3A_192 : memref<200xi32, #tpu.memory_space<vmem>>) semaphore(%arg11 : memref<!tpu.dma_semaphore, #tpu.memory_space<semaphore_mem>>)
      } else {
      }
      %mul3A_163 = arith.constant 200 : i32
      %mul3A_164 = arith.muli %add3A_155, %mul3A_163 : i32
      %dma_wait3A_165 = tpu.memref_slice %arg5[%mul3A_164] : memref<25600xi32, #tpu.memory_space<vmem>> -> memref<200xi32, #tpu.memory_space<vmem>>
      %dma_wait3A_166 = arith.constant 0 : i32
      %dma_wait3A_167 = arith.constant 0 : i32
      %dma_wait3A_168 = tpu.memref_slice %arg3[%dma_wait3A_166, %dma_wait3A_167] : memref<1000000x128xf32, #tpu.memory_space<hbm>> -> memref<1000000x128xf32, #tpu.memory_space<hbm>>
      tpu.wait_indirect_dma semaphore(%arg13 : memref<!tpu.dma_semaphore, #tpu.memory_space<semaphore_mem>>) src(%dma_wait3A_168 : memref<1000000x128xf32, #tpu.memory_space<hbm>>) dst(%arg9 : memref<200x128xf32, #tpu.memory_space<vmem>>)
      %scan3A_169 = arith.constant 0 : i32
      %scan3A_170 = arith.constant 0 : i32
      %scan3A_171 = arith.constant 50 : i32
      %scan3A_172 = arith.addi %scan3A_170, %scan3A_171 : i32
      %scan3A_173 = arith.constant 1 : i32
      scf.for %scan3A_184 = %scan3A_170 to %scan3A_172 step %scan3A_173  : i32 {
        %mul3A_185 = arith.constant 4 : i32
        %mul3A_186 = arith.muli %scan3A_184, %mul3A_185 : i32
        %add3A_187 = arith.constant 0 : i32
        %add3A_188 = arith.addi %mul3A_186, %add3A_187 : i32
        %get3A = arith.index_cast %add3A_188 : i32 to index
        %get3A_189 = arith.constant 0 : index
        %get3A_190 = tpu.vector_load %arg9[%get3A, %get3A_189] {strides = array<i32>} : memref<200x128xf32, #tpu.memory_space<vmem>>, vector<1x16xf32>,
        %get3A_191 = vector.shape_cast %get3A_190 : vector<1x16xf32> to vector<16xf32>
        %mul3A_192 = arith.constant 8.000000e+00 : f32
        %mul3A_193 = vector.broadcast %mul3A_192 : f32 to vector<16xf32>
        %mul3A_194 = arith.mulf %get3A_191, %mul3A_193 : vector<16xf32>
        %swap3A = arith.index_cast %add3A_188 : i32 to index
        %swap3A_195 = arith.constant 0 : index
        %swap3A_196 = tpu.vector_load %arg9[%swap3A, %swap3A_195] {strides = array<i32>} : memref<200x128xf32, #tpu.memory_space<vmem>>, vector<1x16xf32>,
        %swap3A_197 = vector.shape_cast %swap3A_196 : vector<1x16xf32> to vector<16xf32>
        %swap3A_198 = vector.shape_cast %mul3A_194 : vector<16xf32> to vector<1x16xf32>
        tpu.vector_store %arg9[%swap3A, %swap3A_195], %swap3A_198 {strides = array<i32>} : memref<200x128xf32, #tpu.memory_space<vmem>>, vector<1x16xf32>,
        %get3A_199 = arith.index_cast %add3A_188 : i32 to index
        %get3A_200 = arith.constant 16 : index
        %get3A_201 = tpu.vector_load %arg9[%get3A_199, %get3A_200] {strides = array<i32>} : memref<200x128xf32, #tpu.memory_space<vmem>>, vector<1x16xf32>,
        %get3A_202 = vector.shape_cast %get3A_201 : vector<1x16xf32> to vector<16xf32>
        %mul3A_203 = arith.constant 8.000000e+00 : f32
        %mul3A_204 = vector.broadcast %mul3A_203 : f32 to vector<16xf32>
        %mul3A_205 = arith.mulf %get3A_202, %mul3A_204 : vector<16xf32>
        %swap3A_206 = arith.index_cast %add3A_188 : i32 to index
        %swap3A_207 = arith.constant 16 : index
        %swap3A_208 = tpu.vector_load %arg9[%swap3A_206, %swap3A_207] {strides = array<i32>} : memref<200x128xf32, #tpu.memory_space<vmem>>, vector<1x16xf32>,
        %swap3A_209 = vector.shape_cast %swap3A_208 : vector<1x16xf32> to vector<16xf32>
        %swap3A_210 = vector.shape_cast %mul3A_205 : vector<16xf32> to vector<1x16xf32>
        tpu.vector_store %arg9[%swap3A_206, %swap3A_207], %swap3A_210 {strides = array<i32>} : memref<200x128xf32, #tpu.memory_space<vmem>>, vector<1x16xf32>,
        %get3A_211 = arith.index_cast %add3A_188 : i32 to index
        %get3A_212 = arith.constant 32 : index
        %get3A_213 = tpu.vector_load %arg9[%get3A_211, %get3A_212] {strides = array<i32>} : memref<200x128xf32, #tpu.memory_space<vmem>>, vector<1x16xf32>,
        %get3A_214 = vector.shape_cast %get3A_213 : vector<1x16xf32> to vector<16xf32>
        %mul3A_215 = arith.constant 8.000000e+00 : f32
        %mul3A_216 = vector.broadcast %mul3A_215 : f32 to vector<16xf32>
        %mul3A_217 = arith.mulf %get3A_214, %mul3A_216 : vector<16xf32>
        %swap3A_218 = arith.index_cast %add3A_188 : i32 to index
        %swap3A_219 = arith.constant 32 : index
        %swap3A_220 = tpu.vector_load %arg9[%swap3A_218, %swap3A_219] {strides = array<i32>} : memref<200x128xf32, #tpu.memory_space<vmem>>, vector<1x16xf32>,
        %swap3A_221 = vector.shape_cast %swap3A_220 : vector<1x16xf32> to vector<16xf32>
        %swap3A_222 = vector.shape_cast %mul3A_217 : vector<16xf32> to vector<1x16xf32>
        tpu.vector_store %arg9[%swap3A_218, %swap3A_219], %swap3A_222 {strides = array<i32>} : memref<200x128xf32, #tpu.memory_space<vmem>>, vector<1x16xf32>,
        %get3A_223 = arith.index_cast %add3A_188 : i32 to index
        %get3A_224 = arith.constant 48 : index
        %get3A_225 = tpu.vector_load %arg9[%get3A_223, %get3A_224] {strides = array<i32>} : memref<200x128xf32, #tpu.memory_space<vmem>>, vector<1x16xf32>,
        %get3A_226 = vector.shape_cast %get3A_225 : vector<1x16xf32> to vector<16xf32>
        %mul3A_227 = arith.constant 8.000000e+00 : f32
        %mul3A_228 = vector.broadcast %mul3A_227 : f32 to vector<16xf32>
        %mul3A_229 = arith.mulf %get3A_226, %mul3A_228 : vector<16xf32>
        %swap3A_230 = arith.index_cast %add3A_188 : i32 to index
        %swap3A_231 = arith.constant 48 : index
        %swap3A_232 = tpu.vector_load %arg9[%swap3A_230, %swap3A_231] {strides = array<i32>} : memref<200x128xf32, #tpu.memory_space<vmem>>, vector<1x16xf32>,
        %swap3A_233 = vector.shape_cast %swap3A_232 : vector<1x16xf32> to vector<16xf32>
        %swap3A_234 = vector.shape_cast %mul3A_229 : vector<16xf32> to vector<1x16xf32>
        tpu.vector_store %arg9[%swap3A_230, %swap3A_231], %swap3A_234 {strides = array<i32>} : memref<200x128xf32, #tpu.memory_space<vmem>>, vector<1x16xf32>,
        %mul3A_235 = arith.constant 4 : i32
        %mul3A_236 = arith.muli %scan3A_184, %mul3A_235 : i32
        %add3A_237 = arith.constant 1 : i32
        %add3A_238 = arith.addi %mul3A_236, %add3A_237 : i32
        %get3A_239 = arith.index_cast %add3A_238 : i32 to index
        %get3A_240 = arith.constant 0 : index
        %get3A_241 = tpu.vector_load %arg9[%get3A_239, %get3A_240] {strides = array<i32>} : memref<200x128xf32, #tpu.memory_space<vmem>>, vector<1x16xf32>,
        %get3A_242 = vector.shape_cast %get3A_241 : vector<1x16xf32> to vector<16xf32>
        %mul3A_243 = arith.constant 8.000000e+00 : f32
        %mul3A_244 = vector.broadcast %mul3A_243 : f32 to vector<16xf32>
        %mul3A_245 = arith.mulf %get3A_242, %mul3A_244 : vector<16xf32>
        %swap3A_246 = arith.index_cast %add3A_238 : i32 to index
        %swap3A_247 = arith.constant 0 : index
        %swap3A_248 = tpu.vector_load %arg9[%swap3A_246, %swap3A_247] {strides = array<i32>} : memref<200x128xf32, #tpu.memory_space<vmem>>, vector<1x16xf32>,
        %swap3A_249 = vector.shape_cast %swap3A_248 : vector<1x16xf32> to vector<16xf32>
        %swap3A_250 = vector.shape_cast %mul3A_245 : vector<16xf32> to vector<1x16xf32>
        tpu.vector_store %arg9[%swap3A_246, %swap3A_247], %swap3A_250 {strides = array<i32>} : memref<200x128xf32, #tpu.memory_space<vmem>>, vector<1x16xf32>,
        %get3A_251 = arith.index_cast %add3A_238 : i32 to index
        %get3A_252 = arith.constant 16 : index
        %get3A_253 = tpu.vector_load %arg9[%get3A_251, %get3A_252] {strides = array<i32>} : memref<200x128xf32, #tpu.memory_space<vmem>>, vector<1x16xf32>,
        %get3A_254 = vector.shape_cast %get3A_253 : vector<1x16xf32> to vector<16xf32>
        %mul3A_255 = arith.constant 8.000000e+00 : f32
        %mul3A_256 = vector.broadcast %mul3A_255 : f32 to vector<16xf32>
        %mul3A_257 = arith.mulf %get3A_254, %mul3A_256 : vector<16xf32>
        %swap3A_258 = arith.index_cast %add3A_238 : i32 to index
        %swap3A_259 = arith.constant 16 : index
        %swap3A_260 = tpu.vector_load %arg9[%swap3A_258, %swap3A_259] {strides = array<i32>} : memref<200x128xf32, #tpu.memory_space<vmem>>, vector<1x16xf32>,
        %swap3A_261 = vector.shape_cast %swap3A_260 : vector<1x16xf32> to vector<16xf32>
        %swap3A_262 = vector.shape_cast %mul3A_257 : vector<16xf32> to vector<1x16xf32>
        tpu.vector_store %arg9[%swap3A_258, %swap3A_259], %swap3A_262 {strides = array<i32>} : memref<200x128xf32, #tpu.memory_space<vmem>>, vector<1x16xf32>,
        %get3A_263 = arith.index_cast %add3A_238 : i32 to index
        %get3A_264 = arith.constant 32 : index
        %get3A_265 = tpu.vector_load %arg9[%get3A_263, %get3A_264] {strides = array<i32>} : memref<200x128xf32, #tpu.memory_space<vmem>>, vector<1x16xf32>,
        %get3A_266 = vector.shape_cast %get3A_265 : vector<1x16xf32> to vector<16xf32>
        %mul3A_267 = arith.constant 8.000000e+00 : f32
        %mul3A_268 = vector.broadcast %mul3A_267 : f32 to vector<16xf32>
        %mul3A_269 = arith.mulf %get3A_266, %mul3A_268 : vector<16xf32>
        %swap3A_270 = arith.index_cast %add3A_238 : i32 to index
        %swap3A_271 = arith.constant 32 : index
        %swap3A_272 = tpu.vector_load %arg9[%swap3A_270, %swap3A_271] {strides = array<i32>} : memref<200x128xf32, #tpu.memory_space<vmem>>, vector<1x16xf32>,
        %swap3A_273 = vector.shape_cast %swap3A_272 : vector<1x16xf32> to vector<16xf32>
        %swap3A_274 = vector.shape_cast %mul3A_269 : vector<16xf32> to vector<1x16xf32>
        tpu.vector_store %arg9[%swap3A_270, %swap3A_271], %swap3A_274 {strides = array<i32>} : memref<200x128xf32, #tpu.memory_space<vmem>>, vector<1x16xf32>,
        %get3A_275 = arith.index_cast %add3A_238 : i32 to index
        %get3A_276 = arith.constant 48 : index
        %get3A_277 = tpu.vector_load %arg9[%get3A_275, %get3A_276] {strides = array<i32>} : memref<200x128xf32, #tpu.memory_space<vmem>>, vector<1x16xf32>,
        %get3A_278 = vector.shape_cast %get3A_277 : vector<1x16xf32> to vector<16xf32>
        %mul3A_279 = arith.constant 8.000000e+00 : f32
        %mul3A_280 = vector.broadcast %mul3A_279 : f32 to vector<16xf32>
        %mul3A_281 = arith.mulf %get3A_278, %mul3A_280 : vector<16xf32>
        %swap3A_282 = arith.index_cast %add3A_238 : i32 to index
        %swap3A_283 = arith.constant 48 : index
        %swap3A_284 = tpu.vector_load %arg9[%swap3A_282, %swap3A_283] {strides = array<i32>} : memref<200x128xf32, #tpu.memory_space<vmem>>, vector<1x16xf32>,
        %swap3A_285 = vector.shape_cast %swap3A_284 : vector<1x16xf32> to vector<16xf32>
        %swap3A_286 = vector.shape_cast %mul3A_281 : vector<16xf32> to vector<1x16xf32>
        tpu.vector_store %arg9[%swap3A_282, %swap3A_283], %swap3A_286 {strides = array<i32>} : memref<200x128xf32, #tpu.memory_space<vmem>>, vector<1x16xf32>,
        %mul3A_287 = arith.constant 4 : i32
        %mul3A_288 = arith.muli %scan3A_184, %mul3A_287 : i32
        %add3A_289 = arith.constant 2 : i32
        %add3A_290 = arith.addi %mul3A_288, %add3A_289 : i32
        %get3A_291 = arith.index_cast %add3A_290 : i32 to index
        %get3A_292 = arith.constant 0 : index
        %get3A_293 = tpu.vector_load %arg9[%get3A_291, %get3A_292] {strides = array<i32>} : memref<200x128xf32, #tpu.memory_space<vmem>>, vector<1x16xf32>,
        %get3A_294 = vector.shape_cast %get3A_293 : vector<1x16xf32> to vector<16xf32>
        %mul3A_295 = arith.constant 8.000000e+00 : f32
        %mul3A_296 = vector.broadcast %mul3A_295 : f32 to vector<16xf32>
        %mul3A_297 = arith.mulf %get3A_294, %mul3A_296 : vector<16xf32>
        %swap3A_298 = arith.index_cast %add3A_290 : i32 to index
        %swap3A_299 = arith.constant 0 : index
        %swap3A_300 = tpu.vector_load %arg9[%swap3A_298, %swap3A_299] {strides = array<i32>} : memref<200x128xf32, #tpu.memory_space<vmem>>, vector<1x16xf32>,
        %swap3A_301 = vector.shape_cast %swap3A_300 : vector<1x16xf32> to vector<16xf32>
        %swap3A_302 = vector.shape_cast %mul3A_297 : vector<16xf32> to vector<1x16xf32>
        tpu.vector_store %arg9[%swap3A_298, %swap3A_299], %swap3A_302 {strides = array<i32>} : memref<200x128xf32, #tpu.memory_space<vmem>>, vector<1x16xf32>,
        %get3A_303 = arith.index_cast %add3A_290 : i32 to index
        %get3A_304 = arith.constant 16 : index
        %get3A_305 = tpu.vector_load %arg9[%get3A_303, %get3A_304] {strides = array<i32>} : memref<200x128xf32, #tpu.memory_space<vmem>>, vector<1x16xf32>,
        %get3A_306 = vector.shape_cast %get3A_305 : vector<1x16xf32> to vector<16xf32>
        %mul3A_307 = arith.constant 8.000000e+00 : f32
        %mul3A_308 = vector.broadcast %mul3A_307 : f32 to vector<16xf32>
        %mul3A_309 = arith.mulf %get3A_306, %mul3A_308 : vector<16xf32>
        %swap3A_310 = arith.index_cast %add3A_290 : i32 to index
        %swap3A_311 = arith.constant 16 : index
        %swap3A_312 = tpu.vector_load %arg9[%swap3A_310, %swap3A_311] {strides = array<i32>} : memref<200x128xf32, #tpu.memory_space<vmem>>, vector<1x16xf32>,
        %swap3A_313 = vector.shape_cast %swap3A_312 : vector<1x16xf32> to vector<16xf32>
        %swap3A_314 = vector.shape_cast %mul3A_309 : vector<16xf32> to vector<1x16xf32>
        tpu.vector_store %arg9[%swap3A_310, %swap3A_311], %swap3A_314 {strides = array<i32>} : memref<200x128xf32, #tpu.memory_space<vmem>>, vector<1x16xf32>,
        %get3A_315 = arith.index_cast %add3A_290 : i32 to index
        %get3A_316 = arith.constant 32 : index
        %get3A_317 = tpu.vector_load %arg9[%get3A_315, %get3A_316] {strides = array<i32>} : memref<200x128xf32, #tpu.memory_space<vmem>>, vector<1x16xf32>,
        %get3A_318 = vector.shape_cast %get3A_317 : vector<1x16xf32> to vector<16xf32>
        %mul3A_319 = arith.constant 8.000000e+00 : f32
        %mul3A_320 = vector.broadcast %mul3A_319 : f32 to vector<16xf32>
        %mul3A_321 = arith.mulf %get3A_318, %mul3A_320 : vector<16xf32>
        %swap3A_322 = arith.index_cast %add3A_290 : i32 to index
        %swap3A_323 = arith.constant 32 : index
        %swap3A_324 = tpu.vector_load %arg9[%swap3A_322, %swap3A_323] {strides = array<i32>} : memref<200x128xf32, #tpu.memory_space<vmem>>, vector<1x16xf32>,
        %swap3A_325 = vector.shape_cast %swap3A_324 : vector<1x16xf32> to vector<16xf32>
        %swap3A_326 = vector.shape_cast %mul3A_321 : vector<16xf32> to vector<1x16xf32>
        tpu.vector_store %arg9[%swap3A_322, %swap3A_323], %swap3A_326 {strides = array<i32>} : memref<200x128xf32, #tpu.memory_space<vmem>>, vector<1x16xf32>,
        %get3A_327 = arith.index_cast %add3A_290 : i32 to index
        %get3A_328 = arith.constant 48 : index
        %get3A_329 = tpu.vector_load %arg9[%get3A_327, %get3A_328] {strides = array<i32>} : memref<200x128xf32, #tpu.memory_space<vmem>>, vector<1x16xf32>,
        %get3A_330 = vector.shape_cast %get3A_329 : vector<1x16xf32> to vector<16xf32>
        %mul3A_331 = arith.constant 8.000000e+00 : f32
        %mul3A_332 = vector.broadcast %mul3A_331 : f32 to vector<16xf32>
        %mul3A_333 = arith.mulf %get3A_330, %mul3A_332 : vector<16xf32>
        %swap3A_334 = arith.index_cast %add3A_290 : i32 to index
        %swap3A_335 = arith.constant 48 : index
        %swap3A_336 = tpu.vector_load %arg9[%swap3A_334, %swap3A_335] {strides = array<i32>} : memref<200x128xf32, #tpu.memory_space<vmem>>, vector<1x16xf32>,
        %swap3A_337 = vector.shape_cast %swap3A_336 : vector<1x16xf32> to vector<16xf32>
        %swap3A_338 = vector.shape_cast %mul3A_333 : vector<16xf32> to vector<1x16xf32>
        tpu.vector_store %arg9[%swap3A_334, %swap3A_335], %swap3A_338 {strides = array<i32>} : memref<200x128xf32, #tpu.memory_space<vmem>>, vector<1x16xf32>,
        %mul3A_339 = arith.constant 4 : i32
        %mul3A_340 = arith.muli %scan3A_184, %mul3A_339 : i32
        %add3A_341 = arith.constant 3 : i32
        %add3A_342 = arith.addi %mul3A_340, %add3A_341 : i32
        %get3A_343 = arith.index_cast %add3A_342 : i32 to index
        %get3A_344 = arith.constant 0 : index
        %get3A_345 = tpu.vector_load %arg9[%get3A_343, %get3A_344] {strides = array<i32>} : memref<200x128xf32, #tpu.memory_space<vmem>>, vector<1x16xf32>,
        %get3A_346 = vector.shape_cast %get3A_345 : vector<1x16xf32> to vector<16xf32>
        %mul3A_347 = arith.constant 8.000000e+00 : f32
        %mul3A_348 = vector.broadcast %mul3A_347 : f32 to vector<16xf32>
        %mul3A_349 = arith.mulf %get3A_346, %mul3A_348 : vector<16xf32>
        %swap3A_350 = arith.index_cast %add3A_342 : i32 to index
        %swap3A_351 = arith.constant 0 : index
        %swap3A_352 = tpu.vector_load %arg9[%swap3A_350, %swap3A_351] {strides = array<i32>} : memref<200x128xf32, #tpu.memory_space<vmem>>, vector<1x16xf32>,
        %swap3A_353 = vector.shape_cast %swap3A_352 : vector<1x16xf32> to vector<16xf32>
        %swap3A_354 = vector.shape_cast %mul3A_349 : vector<16xf32> to vector<1x16xf32>
        tpu.vector_store %arg9[%swap3A_350, %swap3A_351], %swap3A_354 {strides = array<i32>} : memref<200x128xf32, #tpu.memory_space<vmem>>, vector<1x16xf32>,
        %get3A_355 = arith.index_cast %add3A_342 : i32 to index
        %get3A_356 = arith.constant 16 : index
        %get3A_357 = tpu.vector_load %arg9[%get3A_355, %get3A_356] {strides = array<i32>} : memref<200x128xf32, #tpu.memory_space<vmem>>, vector<1x16xf32>,
        %get3A_358 = vector.shape_cast %get3A_357 : vector<1x16xf32> to vector<16xf32>
        %mul3A_359 = arith.constant 8.000000e+00 : f32
        %mul3A_360 = vector.broadcast %mul3A_359 : f32 to vector<16xf32>
        %mul3A_361 = arith.mulf %get3A_358, %mul3A_360 : vector<16xf32>
        %swap3A_362 = arith.index_cast %add3A_342 : i32 to index
        %swap3A_363 = arith.constant 16 : index
        %swap3A_364 = tpu.vector_load %arg9[%swap3A_362, %swap3A_363] {strides = array<i32>} : memref<200x128xf32, #tpu.memory_space<vmem>>, vector<1x16xf32>,
        %swap3A_365 = vector.shape_cast %swap3A_364 : vector<1x16xf32> to vector<16xf32>
        %swap3A_366 = vector.shape_cast %mul3A_361 : vector<16xf32> to vector<1x16xf32>
        tpu.vector_store %arg9[%swap3A_362, %swap3A_363], %swap3A_366 {strides = array<i32>} : memref<200x128xf32, #tpu.memory_space<vmem>>, vector<1x16xf32>,
        %get3A_367 = arith.index_cast %add3A_342 : i32 to index
        %get3A_368 = arith.constant 32 : index
        %get3A_369 = tpu.vector_load %arg9[%get3A_367, %get3A_368] {strides = array<i32>} : memref<200x128xf32, #tpu.memory_space<vmem>>, vector<1x16xf32>,
        %get3A_370 = vector.shape_cast %get3A_369 : vector<1x16xf32> to vector<16xf32>
        %mul3A_371 = arith.constant 8.000000e+00 : f32
        %mul3A_372 = vector.broadcast %mul3A_371 : f32 to vector<16xf32>
        %mul3A_373 = arith.mulf %get3A_370, %mul3A_372 : vector<16xf32>
        %swap3A_374 = arith.index_cast %add3A_342 : i32 to index
        %swap3A_375 = arith.constant 32 : index
        %swap3A_376 = tpu.vector_load %arg9[%swap3A_374, %swap3A_375] {strides = array<i32>} : memref<200x128xf32, #tpu.memory_space<vmem>>, vector<1x16xf32>,
        %swap3A_377 = vector.shape_cast %swap3A_376 : vector<1x16xf32> to vector<16xf32>
        %swap3A_378 = vector.shape_cast %mul3A_373 : vector<16xf32> to vector<1x16xf32>
        tpu.vector_store %arg9[%swap3A_374, %swap3A_375], %swap3A_378 {strides = array<i32>} : memref<200x128xf32, #tpu.memory_space<vmem>>, vector<1x16xf32>,
        %get3A_379 = arith.index_cast %add3A_342 : i32 to index
        %get3A_380 = arith.constant 48 : index
        %get3A_381 = tpu.vector_load %arg9[%get3A_379, %get3A_380] {strides = array<i32>} : memref<200x128xf32, #tpu.memory_space<vmem>>, vector<1x16xf32>,
        %get3A_382 = vector.shape_cast %get3A_381 : vector<1x16xf32> to vector<16xf32>
        %mul3A_383 = arith.constant 8.000000e+00 : f32
        %mul3A_384 = vector.broadcast %mul3A_383 : f32 to vector<16xf32>
        %mul3A_385 = arith.mulf %get3A_382, %mul3A_384 : vector<16xf32>
        %swap3A_386 = arith.index_cast %add3A_342 : i32 to index
        %swap3A_387 = arith.constant 48 : index
        %swap3A_388 = tpu.vector_load %arg9[%swap3A_386, %swap3A_387] {strides = array<i32>} : memref<200x128xf32, #tpu.memory_space<vmem>>, vector<1x16xf32>,
        %swap3A_389 = vector.shape_cast %swap3A_388 : vector<1x16xf32> to vector<16xf32>
        %swap3A_390 = vector.shape_cast %mul3A_385 : vector<16xf32> to vector<1x16xf32>
        tpu.vector_store %arg9[%swap3A_386, %swap3A_387], %swap3A_390 {strides = array<i32>} : memref<200x128xf32, #tpu.memory_space<vmem>>, vector<1x16xf32>,
      }
      %scan3A_174 = arith.constant 50 : i32
      %add3A_175 = arith.addi %mul3A_2, %add3A_155 : i32
      %dma_start3A_176 = arith.constant 0 : i32
      %dma_start3A_177 = arith.constant 0 : i32
      %dma_start3A_178 = tpu.memref_slice %arg4[%add3A_175, %dma_start3A_176, %dma_start3A_177] : memref<4096x200x128xf32, #tpu.memory_space<hbm>> -> memref<1x200x128xf32, #tpu.memory_space<hbm>>
      %dma_start3A_179 = tpu.memref_squeeze %dma_start3A_178 : memref<1x200x128xf32, #tpu.memory_space<hbm>> -> memref<200x128xf32, #tpu.memory_space<hbm>>
      %dma_start3A_180 = arith.constant 0 : i32
      %dma_start3A_181 = arith.constant 0 : i32
      %dma_start3A_182 = tpu.memref_slice %arg4[%add3A_175, %dma_start3A_180, %dma_start3A_181] : memref<4096x200x128xf32, #tpu.memory_space<hbm>> -> memref<1x200x128xf32, #tpu.memory_space<hbm>>
      %dma_start3A_183 = tpu.memref_squeeze %dma_start3A_182 : memref<1x200x128xf32, #tpu.memory_space<hbm>> -> memref<200x128xf32, #tpu.memory_space<hbm>>
      tpu.enqueue_dma source(%arg9 : memref<200x128xf32, #tpu.memory_space<vmem>>) target(%dma_start3A_183 : memref<200x128xf32, #tpu.memory_space<hbm>>) target_semaphore(%arg17 : memref<!tpu.dma_semaphore, #tpu.memory_space<semaphore_mem>>)
    }
    %scan3A_18 = arith.constant 32 : i32
    %add3A_19 = arith.constant 124 : i32
    %add3A_20 = arith.addi %mul3A_2, %add3A_19 : i32
    %dma_wait3A = arith.constant 0 : i32
    %dma_wait3A_21 = arith.constant 0 : i32
    %dma_wait3A_22 = tpu.memref_slice %arg4[%add3A_20, %dma_wait3A, %dma_wait3A_21] : memref<4096x200x128xf32, #tpu.memory_space<hbm>> -> memref<1x200x128xf32, #tpu.memory_space<hbm>>
    %dma_wait3A_23 = tpu.memref_squeeze %dma_wait3A_22 : memref<1x200x128xf32, #tpu.memory_space<hbm>> -> memref<200x128xf32, #tpu.memory_space<hbm>>
    %dma_wait3A_24 = arith.constant 0 : i32
    %dma_wait3A_25 = arith.constant 0 : i32
    %dma_wait3A_26 = tpu.memref_slice %arg4[%add3A_20, %dma_wait3A_24, %dma_wait3A_25] : memref<4096x200x128xf32, #tpu.memory_space<hbm>> -> memref<1x200x128xf32, #tpu.memory_space<hbm>>
    %dma_wait3A_27 = tpu.memref_squeeze %dma_wait3A_26 : memref<1x200x128xf32, #tpu.memory_space<hbm>> -> memref<200x128xf32, #tpu.memory_space<hbm>>
    tpu.wait_dma2 semaphore(%arg14 : memref<!tpu.dma_semaphore, #tpu.memory_space<semaphore_mem>>) src(%arg6 : memref<200x128xf32, #tpu.memory_space<vmem>>) dst(%dma_wait3A_27 : memref<200x128xf32, #tpu.memory_space<hbm>>)
    %add3A_28 = arith.constant 125 : i32
    %add3A_29 = arith.addi %mul3A_2, %add3A_28 : i32
    %dma_wait3A_30 = arith.constant 0 : i32
    %dma_wait3A_31 = arith.constant 0 : i32
    %dma_wait3A_32 = tpu.memref_slice %arg4[%add3A_29, %dma_wait3A_30, %dma_wait3A_31] : memref<4096x200x128xf32, #tpu.memory_space<hbm>> -> memref<1x200x128xf32, #tpu.memory_space<hbm>>
    %dma_wait3A_33 = tpu.memref_squeeze %dma_wait3A_32 : memref<1x200x128xf32, #tpu.memory_space<hbm>> -> memref<200x128xf32, #tpu.memory_space<hbm>>
    %dma_wait3A_34 = arith.constant 0 : i32
    %dma_wait3A_35 = arith.constant 0 : i32
    %dma_wait3A_36 = tpu.memref_slice %arg4[%add3A_29, %dma_wait3A_34, %dma_wait3A_35] : memref<4096x200x128xf32, #tpu.memory_space<hbm>> -> memref<1x200x128xf32, #tpu.memory_space<hbm>>
    %dma_wait3A_37 = tpu.memref_squeeze %dma_wait3A_36 : memref<1x200x128xf32, #tpu.memory_space<hbm>> -> memref<200x128xf32, #tpu.memory_space<hbm>>
    tpu.wait_dma2 semaphore(%arg15 : memref<!tpu.dma_semaphore, #tpu.memory_space<semaphore_mem>>) src(%arg7 : memref<200x128xf32, #tpu.memory_space<vmem>>) dst(%dma_wait3A_37 : memref<200x128xf32, #tpu.memory_space<hbm>>)
    %add3A_38 = arith.constant 126 : i32
    %add3A_39 = arith.addi %mul3A_2, %add3A_38 : i32
    %dma_wait3A_40 = arith.constant 0 : i32
    %dma_wait3A_41 = arith.constant 0 : i32
    %dma_wait3A_42 = tpu.memref_slice %arg4[%add3A_39, %dma_wait3A_40, %dma_wait3A_41] : memref<4096x200x128xf32, #tpu.memory_space<hbm>> -> memref<1x200x128xf32, #tpu.memory_space<hbm>>
    %dma_wait3A_43 = tpu.memref_squeeze %dma_wait3A_42 : memref<1x200x128xf32, #tpu.memory_space<hbm>> -> memref<200x128xf32, #tpu.memory_space<hbm>>
    %dma_wait3A_44 = arith.constant 0 : i32
    %dma_wait3A_45 = arith.constant 0 : i32
    %dma_wait3A_46 = tpu.memref_slice %arg4[%add3A_39, %dma_wait3A_44, %dma_wait3A_45] : memref<4096x200x128xf32, #tpu.memory_space<hbm>> -> memref<1x200x128xf32, #tpu.memory_space<hbm>>
    %dma_wait3A_47 = tpu.memref_squeeze %dma_wait3A_46 : memref<1x200x128xf32, #tpu.memory_space<hbm>> -> memref<200x128xf32, #tpu.memory_space<hbm>>
    tpu.wait_dma2 semaphore(%arg16 : memref<!tpu.dma_semaphore, #tpu.memory_space<semaphore_mem>>) src(%arg8 : memref<200x128xf32, #tpu.memory_space<vmem>>) dst(%dma_wait3A_47 : memref<200x128xf32, #tpu.memory_space<hbm>>)
    %add3A_48 = arith.constant 127 : i32
    %add3A_49 = arith.addi %mul3A_2, %add3A_48 : i32
    %dma_wait3A_50 = arith.constant 0 : i32
    %dma_wait3A_51 = arith.constant 0 : i32
    %dma_wait3A_52 = tpu.memref_slice %arg4[%add3A_49, %dma_wait3A_50, %dma_wait3A_51] : memref<4096x200x128xf32, #tpu.memory_space<hbm>> -> memref<1x200x128xf32, #tpu.memory_space<hbm>>
    %dma_wait3A_53 = tpu.memref_squeeze %dma_wait3A_52 : memref<1x200x128xf32, #tpu.memory_space<hbm>> -> memref<200x128xf32, #tpu.memory_space<hbm>>
    %dma_wait3A_54 = arith.constant 0 : i32
    %dma_wait3A_55 = arith.constant 0 : i32
    %dma_wait3A_56 = tpu.memref_slice %arg4[%add3A_49, %dma_wait3A_54, %dma_wait3A_55] : memref<4096x200x128xf32, #tpu.memory_space<hbm>> -> memref<1x200x128xf32, #tpu.memory_space<hbm>>
    %dma_wait3A_57 = tpu.memref_squeeze %dma_wait3A_56 : memref<1x200x128xf32, #tpu.memory_space<hbm>> -> memref<200x128xf32, #tpu.memory_space<hbm>>
    tpu.wait_dma2 semaphore(%arg17 : memref<!tpu.dma_semaphore, #tpu.memory_space<semaphore_mem>>) src(%arg9 : memref<200x128xf32, #tpu.memory_space<vmem>>) dst(%dma_wait3A_57 : memref<200x128xf32, #tpu.memory_space<hbm>>)
    return
  }
}

</mosaic_0001>

<sc_bundles>
// kernel: kernel.3.cloned.1.call-start
scs
__scs_entry_jumppad:
0x0: {  	(pc) =	sbr.rel $0x88, $3  }
0x1: {  	(tag) =	ssettag $0x0;
	lr =	simm.s32 $0x1  }
0x2: {  	[smem:$0x3F9F] =	sst lr;
	_ =	strace $0xD0000000  }
0x3: {  	_ = 	snop  }
0x4: {  	_ = 	snop  }
0x5: {  	_ = 	snop  }
0x6: {  	_ = 	snop  }
0x7: {  	_ = 	snop  }
__scs_overlays_trampoline_lowered:
0x8: {  	[smem:$0x3FAE] =	sst s0  }
0x9: {  	[smem:$0x3FAF] =	sst s1  }
0xa: {  	[smem:$0x3FB0] =	sst s2  }
0xb: {  	[smem:$0x3FB1] =	sst s3  }
0xc: {  	[smem:$0x3FB2] =	sst s4  }
0xd: {  	[smem:$0x3FB3] =	sst s5  }
0xe: {  	[smem:$0x3FB4] =	sst s6  }
0xf: {  	[smem:$0x3FB5] =	sst s7  }
0x10: {  	[smem:$0x3FB6] =	sst s8  }
0x11: {  	[smem:$0x3FB7] =	sst s9;
	s0 =	simm.s32 @!p0 $0x0  }
0x12: {  	s1 =	sld [smem:$0x3F9D];
	s0 =	simm.s32 @p0 $0x1  }
0x13: {  	[smem:$0x3FB8] =	sst s0;
	s0 =	simm.s32 @!p1 $0x0  }
0x14: {  	s2 =	sld [smem:$0x3F9C];
	s0 =	simm.s32 @p1 $0x1  }
0x15: {  	[smem:$0x3FB9] =	sst s0;
	s0 =	simm.s32 @!p2 $0x0  }
0x16: {  	s3 =	sld [smem:$0x3FDB];
	s0 =	simm.s32 @p2 $0x1  }
0x17: {  	s4 =	simm.s32 $0x1BF5;
	[smem:$0x3FBB] =	sst s0  }
0x18: {  	s0 =	sld [smem:$0x3F9E];
	_ =	swait.ge [sflag:s4], $0x0  }
0x19: {  	s7 =	sld [smem:$0x3F9F]  }
0x1a: {  	s8 =	sadd.s32 $0xFFFFE003, lr  }
0x1b: {  	s9 =	sadd.s32 $0xFFFFFEF7, lr;
	s5 =	simm.s32 $0xFFFFFFFF;
	p2 =	slt.u32 s8, $0xFFFFF086  }
0x1c: {  	p1 =	slt.u32 s9, $0xF7A;
	s5 =	simm.s32 @!p2 $0x0  }
0x1d: {  	s5 =	simm.s32 @p1 $0x1;
	p0 =	seq.s32 s7, s2  }
0x1e: {  	s7 =	smul.u32 @!p0 $0xF7A, s2;
	p2 =	seq.s32 @!p0 s5, $0x0  }
0x1f: {  	s9 =	smul.u32 $0xF7A, s1;
	s8 =	simm.s32 @!p0 $0x1BF5;
	p2 =	por !p2, p0  }
0x20: {  	[sflag:s8] =	ssyncset.s32 @!p0 $0xFFFFF086;
	s6 =	sadd.s32 @!p0 s3, s7;
	s7 =	simm.s32 @!p0 $0x108  }
0x21: {  	s3 =	sadd.s32 s3, s9;
	s6 =	sadd.s32 @!p0 $0x88, s6;
	s7 =	simm.s32 @p2 $0x1082  }
0x22: {  	[simem:s7], [sflag:s8] =	dma.local @!p0 [hbm:s6], $0xF7A  }
0x23: {  	s9 =	sor.u32 $0xD0000000, s2;
	s6 =	simm.s32 $0x108;
	_ =	swait.ge @!p0 [sflag:s8], $0x0  }
0x24: {  	s3 =	sadd.s32 $0x88, s3;
	s6 =	simm.s32 @!p1 $0x1082;
	[sflag:s4] =	ssyncset.s32 $0xFFFFF086  }
0x25: {  	[simem:s6], [sflag:s4] =	dma.local [hbm:s3], $0xF7A  }
0x26: {  	[smem:$0x3F9F] =	sst s1;
	(tag) =	ssettag s2;
	_ =	strace s9  }
0x27: {  	s1 =	sld [smem:$0x3FAF]  }
0x28: {  	s2 =	sld [smem:$0x3FB0]  }
0x29: {  	s4 =	sld [smem:$0x3FB2]  }
0x2a: {  	p0 =	seq.s32 s5, $0x0;
	s5 =	sld [smem:$0x3FB3]  }
0x2b: {  	s6 =	sld [smem:$0x3FB4]  }
0x2c: {  	s7 =	sld [smem:$0x3FB5]  }
0x2d: {  	s3 =	simm.s32 $0x108;
	s8 =	sld [smem:$0x3FB6]  }
0x2e: {  	s3 =	simm.s32 @!p0 $0x1082;
	s9 =	sld [smem:$0x3FB7]  }
0x2f: {  	lr =	sadd.s32 s0, s3;
	s0 =	sld [smem:$0x3FAE]  }
0x30: {  	s3 =	sld [smem:$0x3FB1]  }
0x31: {  	[smem:$0x3FBA] =	sst s10  }
0x32: {  	s10 =	sld [smem:$0x3FB8];
	_ =	sdelay $0x3  }
0x33: {  	p0 =	seq.s32 s10, $0x1;
	s10 =	sld [smem:$0x3FBA];
	_ =	sdelay $0x3  }
0x34: {  	[smem:$0x3FBA] =	sst s10  }
0x35: {  	s10 =	sld [smem:$0x3FB9];
	_ =	sdelay $0x3  }
0x36: {  	p1 =	seq.s32 s10, $0x1;
	s10 =	sld [smem:$0x3FBA];
	_ =	sdelay $0x3  }
0x37: {  	[smem:$0x3FBA] =	sst s10  }
0x38: {  	s10 =	sld [smem:$0x3FBB]  }
0x39: {  	_ = 	snop;
	(pc) =	sbr.ind lr, $3  }
0x3a: {  	_ = 	snop  }
0x3b: {  	_ = 	snop  }
0x3c: {  	p2 =	seq.s32 s10, $0x1;
	s10 =	sld [smem:$0x3FBA]  }
0x3d: {  	_ =	shalt  }
0x3e: {  	_ =	shalt  }
0x3f: {  	_ =	shalt  }
0x40: {  	_ =	shalt  }
0x41: {  	_ =	shalt  }
0x42: {  	_ =	shalt  }
0x43: {  	_ =	shalt  }
0x44: {  	_ =	shalt  }
0x45: {  	_ =	shalt  }
0x46: {  	_ =	shalt  }
0x47: {  	_ =	shalt  }
0x48: {  	_ =	shalt  }
0x49: {  	_ =	shalt  }
0x4a: {  	_ =	shalt  }
0x4b: {  	_ =	shalt  }
0x4c: {  	_ =	shalt  }
0x4d: {  	_ =	shalt  }
0x4e: {  	_ =	shalt  }
0x4f: {  	_ =	shalt  }
0x50: {  	_ =	shalt  }
0x51: {  	_ =	shalt  }
0x52: {  	_ =	shalt  }
0x53: {  	_ =	shalt  }
0x54: {  	_ =	shalt  }
0x55: {  	_ =	shalt  }
0x56: {  	_ =	shalt  }
0x57: {  	_ =	shalt  }
0x58: {  	_ =	shalt  }
0x59: {  	_ =	shalt  }
0x5a: {  	_ =	shalt  }
0x5b: {  	_ =	shalt  }
0x5c: {  	_ =	shalt  }
0x5d: {  	_ =	shalt  }
0x5e: {  	_ =	shalt  }
0x5f: {  	_ =	shalt  }
0x60: {  	_ =	shalt  }
0x61: {  	_ =	shalt  }
0x62: {  	_ =	shalt  }
0x63: {  	_ =	shalt  }
0x64: {  	_ =	shalt  }
0x65: {  	_ =	shalt  }
0x66: {  	_ =	shalt  }
0x67: {  	_ =	shalt  }
0x68: {  	_ =	shalt  }
0x69: {  	_ =	shalt  }
0x6a: {  	_ =	shalt  }
0x6b: {  	_ =	shalt  }
0x6c: {  	_ =	shalt  }
0x6d: {  	_ =	shalt  }
0x6e: {  	_ =	shalt  }
0x6f: {  	_ =	shalt  }
0x70: {  	_ =	shalt  }
0x71: {  	_ =	shalt  }
0x72: {  	_ =	shalt  }
0x73: {  	_ =	shalt  }
0x74: {  	_ =	shalt  }
0x75: {  	_ =	shalt  }
0x76: {  	_ =	shalt  }
0x77: {  	_ =	shalt  }
0x78: {  	_ =	shalt  }
0x79: {  	_ =	shalt  }
0x7a: {  	_ =	shalt  }
0x7b: {  	_ =	shalt  }
0x7c: {  	_ =	shalt  }
0x7d: {  	_ =	shalt  }
0x7e: {  	_ =	shalt  }
0x7f: {  	_ =	shalt  }
0x80: {  	_ =	shalt  }
0x81: {  	_ =	shalt  }
0x82: {  	_ =	shalt  }
0x83: {  	_ =	shalt  }
0x84: {  	_ =	shalt  }
0x85: {  	_ =	shalt  }
0x86: {  	_ =	shalt  }
0x87: {  	_ =	shalt  }
.Lfunc_end0:
.L_simem_size_0:
called_computation.1_lowered:
.L_overlay_start_0:
0x88: {  	s2 =	sld [smem:$0x3FD9]  }
0x89: {  	s3 =	sld [smem:$0x3FFE];
	_ =	sdelay $0x1  }
0x8a: {  	s1 =	srdreg.scid  }
0x8b: {  	s0 =	sand.u32 $0x1, s1  }
0x8c: {  	s17 =	sshll.u32 s0, $0xA;
	s2 =	sadd.s32 s3, s2  }
0x8d: {  	s2 =	sadd.s32 s2, s17  }
0x8e: {  	[smem:$0x3FC6] =	sst s2  }
0x8f: {  	_ = 	snop  }
0x90: {  	s2 =	sld [smem:$0x3FD0];
	(tm) =	ssettm $0x1  }
0x91: {  	s18 =	sld [smem:$0x3FFB];
	_ =	sdelay $0x3  }
0x92: {  	_ =	strace s18  }
0x93: {  	s3 =	sld [smem:$0x3FFC];
	_ =	sdelay $0x3  }
0x94: {  	_ =	strace s3  }
0x95: {  	s3 =	sld [smem:$0x3FFD];
	_ =	sdelay $0x3  }
0x96: {  	_ =	strace s3  }
0x97: {  	_ =	strace $0x8FFFFFFF  }
0x98: {  	s19 =	sld [smem:$0x3FDB];
	_ =	sdelay $0x1  }
0x99: {  	s4 =	simm.s32 $_scs_section_size  }
0x9a: {  	s5 =	simm.s32 $_size__tile_overlayer_lowered;
	s6 =	simm.s32 $_tile_overlayer_lowered  }
0x9b: {  	s22 =	simm.s32 $0x1BFF;
	s21 =	sshll.u32 s6, $0x1;
	s3 =	sadd.s32 s4, s19  }
0x9c: {  	s7 =	simm.s32 $0x0;
	s20 =	sshll.u32 s5, $0x1;
	s5 =	sadd.s32 s21, s3  }
0x9d: {  	[timem:s7], [sflag:s22] =	dma.local [hbm:s5], s20  }
0x9e: {  	_ =	swait.ge [sflag:s22], s20  }
0x9f: {  	s4 =	ssub.s32 $0x0, s20;
	[sflag:s22] =	ssyncset.done $0x0  }
0xa0: {  	[sflag:s22] =	ssyncadd.s32 s4;
	_ =	sdelay $0x1  }
0xa1: {  	s23 =	simm.s32 $0x1B8B  }
0xa2: {  	_ =	swait.ge [sflag:s23], $0x1  }
0xa3: {  	[sflag:s23] =	ssyncset.done $0x0  }
0xa4: {  	s25 =	simm.s32 $0x1B8E;
	s24 =	sld [smem:$0x3FFE];
	[sflag:s23] =	ssyncadd.s32 $0xFFFFFFFF  }
0xa5: {  	s26 =	simm.s32 $execute0_lowered;
	[smem:$0x3FD2] =	sst s25  }
0xa6: {  	s5 =	sshll.u32 s26, $0x1;
	_ =	strace $0x80000046;
	[dreg:$0x1] =	wrdreg $0xFFFFFFFF  }
0xa7: {  	s28 =	simm.s32 $_size_execute0_lowered;
	s3 =	sadd.s32 s3, s5;
	[dreg:$0x0] =	wrdreg $0x0  }
0xa8: {  	s5 =	sshll.u32 s28, $0x1;
	[dreg:$0x2] =	wrdreg s3  }
0xa9: {  	[dreg:$0x3] =	wrdreg s5  }
0xaa: {  	[dreg:$0x4] =	wrdreg $0xC0  }
0xab: {  	_ =	task [dreg:s7], $0x5FFFF  }
0xac: {  	[dreg:$0x1] =	wrdreg $0xFFFFFFFF  }
0xad: {  	[dreg:$0x0] =	wrdreg $0x60  }
0xae: {  	[dreg:$0x2] =	wrdreg s2  }
0xaf: {  	[dreg:$0x3] =	wrdreg s24  }
0xb0: {  	[dreg:$0x4] =	wrdreg $0x9  }
0xb1: {  	_ =	task.clear_ibuf [dreg:s7], $0x5FFFF;
	_ =	strace $0x90000046  }
0xb2: {  	s29 =	simm.s32 $0x9;
	_ =	strace $0x80000048  }
0xb3: {  	_ =	swait.ge [sflag:s29], $0x1  }
0xb4: {  	[sflag:s29] =	ssyncadd.s32 $0xFFFFFFFF  }
0xb5: {  	_ =	strace $0x90000048  }
0xb6: {  	_ =	sfence  }
0xb7: {  	s30 =	sld [smem:$0x0];
	_ =	sdelay $0x2  }
0xb8: {  	s31 =	sshll.u32 s1, $0xD;
	s1 =	sshrl.u32 s1, $0x2  }
0xb9: {  	s3 =	sand.u32 $0x4000, s31;
	s1 =	sadd.s32 s1, s30  }
0xba: {  	s0 =	sor.u32 s3, s0;
	s1 =	sshll.u32 s1, $0x11  }
0xbb: {  	s0 =	sor.u32 s1, s0  }
0xbc: {  	s0 =	sadd.s32 $0x8F2B, s0  }
0xbd: {  	[sflag:s0] =	ssyncadd.remote.s32 $0x1  }
0xbe: {  	_ =	sfence.sel $0xFFFF  }
0xbf: {  	[dreg:$0x0] =	wrdreg $0xFFFFFFFF;
	(pc) =	sbr.abs _section_cstart, $3  }
0xc0: {  	[dreg:$0x1] =	wrdreg $0xFFFFFFFF  }
0xc1: {  	_ =	task.clear_ibuf [dreg:s7], $0x2FFFF;
	_ =	strace $0x9FFFFFFF  }
0xc2: {  	(tm) =	ssettm $0x7FFFFFFF  }
0xc3: {  	_ =	shalt  }
tec
execute0_lowered:
.L_overlay_start_1:
0x0: {  	(tag) =	ssettag $0x1  }
0x1: {  	s6 =	rddreg [dreg:$0x0]  }
0x2: {  	s4 =	rddreg [dreg:$0x1]  }
0x3: {  	s0 =	rddreg [dreg:$0x2]  }
0x4: {  	s3 =	srdreg.scid;
	s1 =	stileid.u32  }
0x5: {  	s2 =	simm.s32 $0x0;
	s10 =	simm.s32 $0x6400;
	s11 =	simm.s32 $0xC800  }
0x6: {  	s12 =	simm.s32 $0x12C00;
	s13 =	simm.s32 $0x1;
	s14 =	simm.s32 $0x19000  }
0x7: {  	s15 =	simm.s32 $0x2;
	s16 =	simm.s32 $0x3;
	s17 =	simm.s32 $0x4  }
0x8: {  	s18 =	simm.s32 $0x5;
	s19 =	simm.s32 $0x6;
	s20 =	simm.s32 $0x7  }
0x9: {  	s21 =	simm.s32 $0x8;
	s22 =	simm.s32 $0x0;
	s3 =	sand.u32 $0x1, s3  }
0xa: {  	s5 =	sshll.u32 s1, $0x1;
	[smem:$0x7FF] =	sst s2;
	s7 =	ssub.s32 $0x2, s3  }
0xb: {  	s5 =	sor.u32 s3, s5;
	_ =	strace $0x80000047;
	s3 =	sadd.s32 $0xF42E00, s4  }
0xc: {  	s4 =	sadd.s32 $0xA00, s4;
	s8 =	sshrl.u32 s7, $0x1;
	s9 =	smul.u32 $0xC80, s5  }
0xd: {  	s5 =	sshll.u32 s5, $0x7;
	s7 =	ssub.s32 s7, s8;
	s8 =	simm.s32 $0x9  }
0xe: {  	s6 =	sadd.s32 s6, s9;
	s7 =	smax.u32 s7, $0x1;
	s9 =	simm.s32 $0xC8  }
.LBB2_1:
0xf: {  	[tilespmem:s2], [sflag:$0x9] =	stream.linear.gather [hbm4b:s6+s2], $0x6400, $0x38;
	[tilespmem:$0x1F400] =	vst v63  }
0x10: {  	_ =	swait.ge [sflag:s8], $0x6400  }
0x11: {  	[sflag:s8] =	ssyncset.done $0x0  }
0x12: {  	[sflag:s8] =	ssyncadd.s32 $0xFFFF9C00  }
0x13: {  	[tilespmem:s10], [sflag:$0x1] =	stream.indirect.gather [hbm4b:s3+s9], $0x80, s2, s9, $0xb8;
	[tilespmem:$0x1F400] =	vst v63  }
0x14: {  	s23 =	simm.s32 $0x0  }
0x15: {  	[tilespmem:s11], [sflag:$0x2] =	stream.indirect.gather [hbm4b:s3+s9], $0x80, s9, s9, $0xb8;
	[tilespmem:$0x1F400] =	vst v63  }
.LBB2_2:
0x16: {  	s26 =	sshll.u32 s23, $0x2;
	p0 =	seq.s32 s23, $0x0  }
0x17: {  	s24 =	sor.u32 $0x2, s26;
	s25 =	simm.s32 @!p0 $0x7  }
0x18: {  	_ =	swait.ge @!p0 [sflag:s25], $0x6400;
	s28 =	smul.u32 $0x320, s24  }
0x19: {  	[sflag:s25] =	ssyncset.done @!p0 $0x0  }
0x1a: {  	[sflag:s25] =	ssyncadd.s32 @!p0 $0xFFFF9C00;
	s31 =	sshra.s32 s28, $0x2  }
0x1b: {  	[tilespmem:s12], [sflag:$0x3] =	stream.indirect.gather [hbm4b:s3+s9], $0x80, s31, s9, $0xb8;
	[tilespmem:$0x1F400] =	vst v63  }
0x1c: {  	_ =	swait.ge [sflag:s13], $0x6400  }
0x1d: {  	[sflag:s13] =	ssyncset.done $0x0  }
0x1e: {  	s25 =	simm.s32 $0x0;
	[sflag:s13] =	ssyncadd.s32 $0xFFFF9C00  }
0x1f: {  	v0 =	vld [tilespmem:s25+$0x6400]  }
0x20: {  	v1 =	vld [tilespmem:s25+$0x6410]  }
0x21: {  	v2 =	vld [tilespmem:s25+$0x6420]  }
0x22: {  	v3 =	vld [tilespmem:s25+$0x6430]  }
0x23: {  	v4 =	vld [tilespmem:s25+$0x6480]  }
0x24: {  	v5 =	vld [tilespmem:s25+$0x6490];
	v0 =	vmul.f32 $8.000000000e+00, v0  }
0x25: {  	v6 =	vld [tilespmem:s25+$0x64A0];
	v1 =	vmul.f32 $8.000000000e+00, v1  }
0x26: {  	v7 =	vld [tilespmem:s25+$0x64B0];
	[tilespmem:s25+$0x6400] =	vst v0;
	v0 =	vmul.f32 $8.000000000e+00, v2  }
0x27: {  	v8 =	vld [tilespmem:s25+$0x6500];
	[tilespmem:s25+$0x6410] =	vst v1;
	v1 =	vmul.f32 $8.000000000e+00, v3  }
0x28: {  	v9 =	vld [tilespmem:s25+$0x6510];
	[tilespmem:s25+$0x6420] =	vst v0;
	v0 =	vmul.f32 $8.000000000e+00, v4  }
0x29: {  	v2 =	vmul.f32 $8.000000000e+00, v5;
	[tilespmem:s25+$0x6430] =	vst v1;
	v1 =	vld [tilespmem:s25+$0x6520]  }
0x2a: {  	v3 =	vmul.f32 $8.000000000e+00, v6;
	[tilespmem:s25+$0x6480] =	vst v0;
	v0 =	vld [tilespmem:s25+$0x6530]  }
0x2b: {  	[tilespmem:s25+$0x6490] =	vst v2;
	v2 =	vld [tilespmem:s25+$0x6580];
	v4 =	vmul.f32 $8.000000000e+00, v7  }
0x2c: {  	v6 =	vmul.f32 $8.000000000e+00, v8;
	[tilespmem:s25+$0x64A0] =	vst v3;
	v3 =	vld [tilespmem:s25+$0x6590]  }
0x2d: {  	s28 =	simm.s32 $0x800;
	v5 =	vmul.f32 $8.000000000e+00, v9;
	[tilespmem:s25+$0x64B0] =	vst v4;
	v4 =	vld [tilespmem:s25+$0x65A0]  }
.LBB2_3:
0x2e: {  	s29 =	sshra.s32 s28, $0x2;
	p1 =	sne.s32 s28, $0x18800;
	[tilespmem:s25+$0x6500] =	vst v6;
	v1 =	vmul.f32 $8.000000000e+00, v1;
	v6 =	vld [tilespmem:s25+$0x65B0]  }
0x2f: {  	v7 =	vld [tilespmem:s29+$0x6400];
	[tilespmem:s25+$0x6510] =	vst v5;
	v0 =	vmul.f32 $8.000000000e+00, v0  }
0x30: {  	v5 =	vld [tilespmem:s29+$0x6410];
	[tilespmem:s25+$0x6520] =	vst v1;
	v1 =	vmul.f32 $8.000000000e+00, v2  }
0x31: {  	v2 =	vld [tilespmem:s29+$0x6420];
	[tilespmem:s25+$0x6530] =	vst v0;
	v0 =	vmul.f32 $8.000000000e+00, v3  }
0x32: {  	v3 =	vld [tilespmem:s29+$0x6430];
	[tilespmem:s25+$0x6580] =	vst v1;
	v1 =	vmul.f32 $8.000000000e+00, v4  }
0x33: {  	v4 =	vld [tilespmem:s29+$0x6480];
	[tilespmem:s25+$0x6590] =	vst v0;
	v0 =	vmul.f32 $8.000000000e+00, v6  }
0x34: {  	v6 =	vmul.f32 $8.000000000e+00, v7;
	v7 =	vld [tilespmem:s29+$0x6490];
	[tilespmem:s25+$0x65A0] =	vst v1  }
0x35: {  	v1 =	vmul.f32 $8.000000000e+00, v5;
	v5 =	vld [tilespmem:s29+$0x64A0];
	[tilespmem:s25+$0x65B0] =	vst v0;
	s25 =	smov.u32 s29  }
0x36: {  	[tilespmem:s25+$0x6400] =	vst v6;
	v0 =	vmul.f32 $8.000000000e+00, v2;
	v2 =	vld [tilespmem:s25+$0x64B0]  }
0x37: {  	[tilespmem:s25+$0x6410] =	vst v1;
	v1 =	vmul.f32 $8.000000000e+00, v3;
	v3 =	vld [tilespmem:s25+$0x6500]  }
0x38: {  	[tilespmem:s25+$0x6420] =	vst v0;
	v0 =	vmul.f32 $8.000000000e+00, v4;
	v4 =	vld [tilespmem:s25+$0x6510]  }
.Ltmp0:
0x39: {  	[tilespmem:s25+$0x6430] =	vst v1;
	v6 =	vmul.f32 $8.000000000e+00, v7;
	v1 =	vld [tilespmem:s25+$0x6520];
	(pc) =	sbr.rel @p1 .LBB2_3-.Ltmp0, $4  }
0x3a: {  	[tilespmem:s25+$0x6480] =	vst v0;
	v5 =	vmul.f32 $8.000000000e+00, v5;
	v0 =	vld [tilespmem:s25+$0x6530]  }
0x3b: {  	[tilespmem:s25+$0x6490] =	vst v6;
	v7 =	vmul.f32 $8.000000000e+00, v2;
	v2 =	vld [tilespmem:s25+$0x6580]  }
0x3c: {  	[tilespmem:s25+$0x64A0] =	vst v5;
	v6 =	vmul.f32 $8.000000000e+00, v3;
	v3 =	vld [tilespmem:s25+$0x6590]  }
0x3d: {  	s28 =	sadd.s32 $0x800, s28;
	[tilespmem:s25+$0x64B0] =	vst v7;
	v5 =	vmul.f32 $8.000000000e+00, v4;
	v4 =	vld [tilespmem:s25+$0x65A0]  }
0x3e: {  	[tilespmem:s25+$0x6500] =	vst v6;
	v1 =	vmul.f32 $8.000000000e+00, v1;
	v6 =	vld [tilespmem:s25+$0x65B0]  }
0x3f: {  	[tilespmem:s25+$0x6510] =	vst v5;
	v0 =	vmul.f32 $8.000000000e+00, v0  }
0x40: {  	[tilespmem:s25+$0x6520] =	vst v1;
	v1 =	vmul.f32 $8.000000000e+00, v2  }
0x41: {  	[tilespmem:s25+$0x6530] =	vst v0;
	v0 =	vmul.f32 $8.000000000e+00, v3  }
0x42: {  	s28 =	sadd.s32 s5, s26;
	[tilespmem:s25+$0x6580] =	vst v1;
	v1 =	vmul.f32 $8.000000000e+00, v4  }
0x43: {  	s28 =	smul.u32 $0xC80, s28;
	[tilespmem:s25+$0x6590] =	vst v0;
	v0 =	vmul.f32 $8.000000000e+00, v6  }
0x44: {  	[tilespmem:s25+$0x65A0] =	vst v1  }
0x45: {  	s31 =	sadd.s32 s4, s28;
	s28 =	simm.s32 @!p0 $0x8;
	[tilespmem:s25+$0x65B0] =	vst v0;
	s25 =	sor.u32 $0x3, s26  }
0x46: {  	[hbm4b:s31+s2] =	stream.linear.scatter [tilespmem:s10], [sflag:$0x5], $0x6400, $0x38;
	[tilespmem:$0x1F400] =	vst v63  }
0x47: {  	s29 =	smul.u32 $0x320, s25;
	_ =	swait.ge @!p0 [sflag:s28], $0x6400  }
0x48: {  	[sflag:s28] =	ssyncset.done @!p0 $0x0  }
0x49: {  	[sflag:s28] =	ssyncadd.s32 @!p0 $0xFFFF9C00;
	s28 =	sshra.s32 s29, $0x2  }
0x4a: {  	[tilespmem:s14], [sflag:$0x4] =	stream.indirect.gather [hbm4b:s3+s9], $0x80, s28, s9, $0xb8;
	[tilespmem:$0x1F400] =	vst v63  }
0x4b: {  	_ =	swait.ge [sflag:s15], $0x6400  }
0x4c: {  	[sflag:s15] =	ssyncset.done $0x0  }
0x4d: {  	s28 =	simm.s32 $0x0;
	[sflag:s15] =	ssyncadd.s32 $0xFFFF9C00  }
0x4e: {  	v0 =	vld [tilespmem:s28+$0xC800]  }
0x4f: {  	v1 =	vld [tilespmem:s28+$0xC810]  }
0x50: {  	v2 =	vld [tilespmem:s28+$0xC820]  }
0x51: {  	v3 =	vld [tilespmem:s28+$0xC830]  }
0x52: {  	v4 =	vld [tilespmem:s28+$0xC880]  }
0x53: {  	v5 =	vld [tilespmem:s28+$0xC890];
	v0 =	vmul.f32 $8.000000000e+00, v0  }
0x54: {  	v6 =	vld [tilespmem:s28+$0xC8A0];
	v1 =	vmul.f32 $8.000000000e+00, v1  }
0x55: {  	v7 =	vld [tilespmem:s28+$0xC8B0];
	[tilespmem:s28+$0xC800] =	vst v0;
	v0 =	vmul.f32 $8.000000000e+00, v2  }
0x56: {  	v8 =	vld [tilespmem:s28+$0xC900];
	[tilespmem:s28+$0xC810] =	vst v1;
	v1 =	vmul.f32 $8.000000000e+00, v3  }
0x57: {  	v9 =	vld [tilespmem:s28+$0xC910];
	[tilespmem:s28+$0xC820] =	vst v0;
	v0 =	vmul.f32 $8.000000000e+00, v4  }
0x58: {  	v2 =	vmul.f32 $8.000000000e+00, v5;
	[tilespmem:s28+$0xC830] =	vst v1;
	v1 =	vld [tilespmem:s28+$0xC920]  }
0x59: {  	v3 =	vmul.f32 $8.000000000e+00, v6;
	[tilespmem:s28+$0xC880] =	vst v0;
	v0 =	vld [tilespmem:s28+$0xC930]  }
0x5a: {  	[tilespmem:s28+$0xC890] =	vst v2;
	v2 =	vld [tilespmem:s28+$0xC980];
	v4 =	vmul.f32 $8.000000000e+00, v7  }
0x5b: {  	v6 =	vmul.f32 $8.000000000e+00, v8;
	[tilespmem:s28+$0xC8A0] =	vst v3;
	v3 =	vld [tilespmem:s28+$0xC990]  }
0x5c: {  	s26 =	sor.u32 $0x1, s26;
	s29 =	simm.s32 $0x800;
	v5 =	vmul.f32 $8.000000000e+00, v9;
	[tilespmem:s28+$0xC8B0] =	vst v4;
	v4 =	vld [tilespmem:s28+$0xC9A0]  }
.LBB2_5:
0x5d: {  	s30 =	sshra.s32 s29, $0x2;
	p0 =	sne.s32 s29, $0x18800;
	[tilespmem:s28+$0xC900] =	vst v6;
	v1 =	vmul.f32 $8.000000000e+00, v1;
	v6 =	vld [tilespmem:s28+$0xC9B0]  }
0x5e: {  	v7 =	vld [tilespmem:s30+$0xC800];
	[tilespmem:s28+$0xC910] =	vst v5;
	v0 =	vmul.f32 $8.000000000e+00, v0  }
0x5f: {  	v5 =	vld [tilespmem:s30+$0xC810];
	[tilespmem:s28+$0xC920] =	vst v1;
	v1 =	vmul.f32 $8.000000000e+00, v2  }
0x60: {  	v2 =	vld [tilespmem:s30+$0xC820];
	[tilespmem:s28+$0xC930] =	vst v0;
	v0 =	vmul.f32 $8.000000000e+00, v3  }
0x61: {  	v3 =	vld [tilespmem:s30+$0xC830];
	[tilespmem:s28+$0xC980] =	vst v1;
	v1 =	vmul.f32 $8.000000000e+00, v4  }
0x62: {  	v4 =	vld [tilespmem:s30+$0xC880];
	[tilespmem:s28+$0xC990] =	vst v0;
	v0 =	vmul.f32 $8.000000000e+00, v6  }
0x63: {  	v6 =	vmul.f32 $8.000000000e+00, v7;
	v7 =	vld [tilespmem:s30+$0xC890];
	[tilespmem:s28+$0xC9A0] =	vst v1  }
0x64: {  	v1 =	vmul.f32 $8.000000000e+00, v5;
	v5 =	vld [tilespmem:s30+$0xC8A0];
	[tilespmem:s28+$0xC9B0] =	vst v0;
	s28 =	smov.u32 s30  }
0x65: {  	[tilespmem:s28+$0xC800] =	vst v6;
	v0 =	vmul.f32 $8.000000000e+00, v2;
	v2 =	vld [tilespmem:s28+$0xC8B0]  }
0x66: {  	[tilespmem:s28+$0xC810] =	vst v1;
	v1 =	vmul.f32 $8.000000000e+00, v3;
	v3 =	vld [tilespmem:s28+$0xC900]  }
0x67: {  	[tilespmem:s28+$0xC820] =	vst v0;
	v0 =	vmul.f32 $8.000000000e+00, v4;
	v4 =	vld [tilespmem:s28+$0xC910]  }
.Ltmp1:
0x68: {  	[tilespmem:s28+$0xC830] =	vst v1;
	v6 =	vmul.f32 $8.000000000e+00, v7;
	v1 =	vld [tilespmem:s28+$0xC920];
	(pc) =	sbr.rel @p0 .LBB2_5-.Ltmp1, $4  }
0x69: {  	[tilespmem:s28+$0xC880] =	vst v0;
	v5 =	vmul.f32 $8.000000000e+00, v5;
	v0 =	vld [tilespmem:s28+$0xC930]  }
0x6a: {  	[tilespmem:s28+$0xC890] =	vst v6;
	v7 =	vmul.f32 $8.000000000e+00, v2;
	v2 =	vld [tilespmem:s28+$0xC980]  }
0x6b: {  	[tilespmem:s28+$0xC8A0] =	vst v5;
	v6 =	vmul.f32 $8.000000000e+00, v3;
	v3 =	vld [tilespmem:s28+$0xC990]  }
0x6c: {  	s29 =	sadd.s32 $0x800, s29;
	[tilespmem:s28+$0xC8B0] =	vst v7;
	v5 =	vmul.f32 $8.000000000e+00, v4;
	v4 =	vld [tilespmem:s28+$0xC9A0]  }
0x6d: {  	[tilespmem:s28+$0xC900] =	vst v6;
	v1 =	vmul.f32 $8.000000000e+00, v1;
	v6 =	vld [tilespmem:s28+$0xC9B0]  }
0x6e: {  	[tilespmem:s28+$0xC910] =	vst v5;
	v0 =	vmul.f32 $8.000000000e+00, v0  }
0x6f: {  	[tilespmem:s28+$0xC920] =	vst v1;
	v1 =	vmul.f32 $8.000000000e+00, v2  }
0x70: {  	[tilespmem:s28+$0xC930] =	vst v0;
	v0 =	vmul.f32 $8.000000000e+00, v3  }
0x71: {  	s26 =	sadd.s32 s5, s26;
	[tilespmem:s28+$0xC980] =	vst v1;
	v1 =	vmul.f32 $8.000000000e+00, v4  }
0x72: {  	s26 =	smul.u32 $0xC80, s26;
	[tilespmem:s28+$0xC990] =	vst v0;
	v0 =	vmul.f32 $8.000000000e+00, v6  }
0x73: {  	[tilespmem:s28+$0xC9A0] =	vst v1  }
0x74: {  	p0 =	seq.s32 s23, $0x1F;
	s26 =	sadd.s32 s4, s26;
	[tilespmem:s28+$0xC9B0] =	vst v0  }
0x75: {  	[hbm4b:s26+s2] =	stream.linear.scatter [tilespmem:s11], [sflag:$0x6], $0x6400, $0x38;
	[tilespmem:$0x1F400] =	vst v63  }
0x76: {  	s26 =	simm.s32 @!p0 $0x5  }
0x77: {  	s28 =	smul.u32 @!p0 $0xC80, s23;
	_ =	swait.ge @!p0 [sflag:s26], $0x6400  }
0x78: {  	[sflag:s26] =	ssyncset.done @!p0 $0x0  }
0x79: {  	[sflag:s26] =	ssyncadd.s32 @!p0 $0xFFFF9C00;
	s26 =	sshra.s32 @!p0 s28, $0x2  }
0x7a: {  	s29 =	simm.s32 @!p0 $0xC8;
	s30 =	simm.s32 @!p0 $0x6400;
	s28 =	sadd.s32 @!p0 $0x320, s26  }
0x7b: {  	[tilespmem:s30], [sflag:$0x1] =	stream.indirect.gather @!p0 [hbm4b:s3+s29], $0x80, s28, s29, $0xb8;
	[tilespmem:$0x1F400] =	vst v63  }
0x7c: {  	_ =	swait.ge [sflag:s16], $0x6400  }
0x7d: {  	[sflag:s16] =	ssyncset.done $0x0  }
0x7e: {  	s28 =	simm.s32 $0x0;
	[sflag:s16] =	ssyncadd.s32 $0xFFFF9C00  }
0x7f: {  	v0 =	vld [tilespmem:s28+$0x12C00]  }
0x80: {  	v1 =	vld [tilespmem:s28+$0x12C10]  }
0x81: {  	v2 =	vld [tilespmem:s28+$0x12C20]  }
0x82: {  	v3 =	vld [tilespmem:s28+$0x12C30]  }
0x83: {  	v4 =	vld [tilespmem:s28+$0x12C80]  }
0x84: {  	v5 =	vld [tilespmem:s28+$0x12C90];
	v0 =	vmul.f32 $8.000000000e+00, v0  }
0x85: {  	v6 =	vld [tilespmem:s28+$0x12CA0];
	v1 =	vmul.f32 $8.000000000e+00, v1  }
0x86: {  	v7 =	vld [tilespmem:s28+$0x12CB0];
	[tilespmem:s28+$0x12C00] =	vst v0;
	v0 =	vmul.f32 $8.000000000e+00, v2  }
0x87: {  	v8 =	vld [tilespmem:s28+$0x12D00];
	[tilespmem:s28+$0x12C10] =	vst v1;
	v1 =	vmul.f32 $8.000000000e+00, v3  }
0x88: {  	v9 =	vld [tilespmem:s28+$0x12D10];
	[tilespmem:s28+$0x12C20] =	vst v0;
	v0 =	vmul.f32 $8.000000000e+00, v4  }
0x89: {  	v2 =	vmul.f32 $8.000000000e+00, v5;
	[tilespmem:s28+$0x12C30] =	vst v1;
	v1 =	vld [tilespmem:s28+$0x12D20]  }
0x8a: {  	v3 =	vmul.f32 $8.000000000e+00, v6;
	[tilespmem:s28+$0x12C80] =	vst v0;
	v0 =	vld [tilespmem:s28+$0x12D30]  }
0x8b: {  	[tilespmem:s28+$0x12C90] =	vst v2;
	v2 =	vld [tilespmem:s28+$0x12D80];
	v4 =	vmul.f32 $8.000000000e+00, v7  }
0x8c: {  	v6 =	vmul.f32 $8.000000000e+00, v8;
	[tilespmem:s28+$0x12CA0] =	vst v3;
	v3 =	vld [tilespmem:s28+$0x12D90]  }
0x8d: {  	s29 =	simm.s32 $0x800;
	v5 =	vmul.f32 $8.000000000e+00, v9;
	[tilespmem:s28+$0x12CB0] =	vst v4;
	v4 =	vld [tilespmem:s28+$0x12DA0]  }
.LBB2_7:
0x8e: {  	s30 =	sshra.s32 s29, $0x2;
	p1 =	sne.s32 s29, $0x18800;
	[tilespmem:s28+$0x12D00] =	vst v6;
	v1 =	vmul.f32 $8.000000000e+00, v1;
	v6 =	vld [tilespmem:s28+$0x12DB0]  }
0x8f: {  	v7 =	vld [tilespmem:s30+$0x12C00];
	[tilespmem:s28+$0x12D10] =	vst v5;
	v0 =	vmul.f32 $8.000000000e+00, v0  }
0x90: {  	v5 =	vld [tilespmem:s30+$0x12C10];
	[tilespmem:s28+$0x12D20] =	vst v1;
	v1 =	vmul.f32 $8.000000000e+00, v2  }
0x91: {  	v2 =	vld [tilespmem:s30+$0x12C20];
	[tilespmem:s28+$0x12D30] =	vst v0;
	v0 =	vmul.f32 $8.000000000e+00, v3  }
0x92: {  	v3 =	vld [tilespmem:s30+$0x12C30];
	[tilespmem:s28+$0x12D80] =	vst v1;
	v1 =	vmul.f32 $8.000000000e+00, v4  }
0x93: {  	v4 =	vld [tilespmem:s30+$0x12C80];
	[tilespmem:s28+$0x12D90] =	vst v0;
	v0 =	vmul.f32 $8.000000000e+00, v6  }
0x94: {  	v6 =	vmul.f32 $8.000000000e+00, v7;
	v7 =	vld [tilespmem:s30+$0x12C90];
	[tilespmem:s28+$0x12DA0] =	vst v1  }
0x95: {  	v1 =	vmul.f32 $8.000000000e+00, v5;
	v5 =	vld [tilespmem:s30+$0x12CA0];
	[tilespmem:s28+$0x12DB0] =	vst v0;
	s28 =	smov.u32 s30  }
0x96: {  	[tilespmem:s28+$0x12C00] =	vst v6;
	v0 =	vmul.f32 $8.000000000e+00, v2;
	v2 =	vld [tilespmem:s28+$0x12CB0]  }
0x97: {  	[tilespmem:s28+$0x12C10] =	vst v1;
	v1 =	vmul.f32 $8.000000000e+00, v3;
	v3 =	vld [tilespmem:s28+$0x12D00]  }
0x98: {  	[tilespmem:s28+$0x12C20] =	vst v0;
	v0 =	vmul.f32 $8.000000000e+00, v4;
	v4 =	vld [tilespmem:s28+$0x12D10]  }
.Ltmp2:
0x99: {  	[tilespmem:s28+$0x12C30] =	vst v1;
	v6 =	vmul.f32 $8.000000000e+00, v7;
	v1 =	vld [tilespmem:s28+$0x12D20];
	(pc) =	sbr.rel @p1 .LBB2_7-.Ltmp2, $4  }
0x9a: {  	[tilespmem:s28+$0x12C80] =	vst v0;
	v5 =	vmul.f32 $8.000000000e+00, v5;
	v0 =	vld [tilespmem:s28+$0x12D30]  }
0x9b: {  	[tilespmem:s28+$0x12C90] =	vst v6;
	v7 =	vmul.f32 $8.000000000e+00, v2;
	v2 =	vld [tilespmem:s28+$0x12D80]  }
0x9c: {  	[tilespmem:s28+$0x12CA0] =	vst v5;
	v6 =	vmul.f32 $8.000000000e+00, v3;
	v3 =	vld [tilespmem:s28+$0x12D90]  }
0x9d: {  	s29 =	sadd.s32 $0x800, s29;
	[tilespmem:s28+$0x12CB0] =	vst v7;
	v5 =	vmul.f32 $8.000000000e+00, v4;
	v4 =	vld [tilespmem:s28+$0x12DA0]  }
0x9e: {  	[tilespmem:s28+$0x12D00] =	vst v6;
	v1 =	vmul.f32 $8.000000000e+00, v1;
	v6 =	vld [tilespmem:s28+$0x12DB0]  }
0x9f: {  	[tilespmem:s28+$0x12D10] =	vst v5;
	v0 =	vmul.f32 $8.000000000e+00, v0  }
0xa0: {  	[tilespmem:s28+$0x12D20] =	vst v1;
	v1 =	vmul.f32 $8.000000000e+00, v2  }
0xa1: {  	[tilespmem:s28+$0x12D30] =	vst v0;
	v0 =	vmul.f32 $8.000000000e+00, v3  }
0xa2: {  	s24 =	sadd.s32 s5, s24;
	[tilespmem:s28+$0x12D80] =	vst v1;
	v1 =	vmul.f32 $8.000000000e+00, v4  }
0xa3: {  	s24 =	smul.u32 $0xC80, s24;
	[tilespmem:s28+$0x12D90] =	vst v0;
	v0 =	vmul.f32 $8.000000000e+00, v6  }
0xa4: {  	[tilespmem:s28+$0x12DA0] =	vst v1  }
0xa5: {  	s24 =	sadd.s32 s4, s24;
	[tilespmem:s28+$0x12DB0] =	vst v0  }
0xa6: {  	[hbm4b:s24+s2] =	stream.linear.scatter [tilespmem:s12], [sflag:$0x7], $0x6400, $0x38;
	[tilespmem:$0x1F400] =	vst v63  }
0xa7: {  	s24 =	simm.s32 @!p0 $0x6  }
0xa8: {  	_ =	swait.ge @!p0 [sflag:s24], $0x6400  }
0xa9: {  	s28 =	simm.s32 @!p0 $0xC800;
	[sflag:s24] =	ssyncset.done @!p0 $0x0  }
0xaa: {  	[sflag:s24] =	ssyncadd.s32 @!p0 $0xFFFF9C00;
	s24 =	sadd.s32 @!p0 $0x3E8, s26;
	s26 =	simm.s32 @!p0 $0xC8  }
0xab: {  	[tilespmem:s28], [sflag:$0x2] =	stream.indirect.gather @!p0 [hbm4b:s3+s26], $0x80, s24, s26, $0xb8;
	[tilespmem:$0x1F400] =	vst v63  }
0xac: {  	_ =	swait.ge [sflag:s17], $0x6400  }
0xad: {  	[sflag:s17] =	ssyncset.done $0x0  }
0xae: {  	s24 =	simm.s32 $0x0;
	[sflag:s17] =	ssyncadd.s32 $0xFFFF9C00  }
0xaf: {  	v0 =	vld [tilespmem:s24+$0x19000]  }
0xb0: {  	v1 =	vld [tilespmem:s24+$0x19010]  }
0xb1: {  	v2 =	vld [tilespmem:s24+$0x19020]  }
0xb2: {  	v3 =	vld [tilespmem:s24+$0x19030]  }
0xb3: {  	v4 =	vld [tilespmem:s24+$0x19080]  }
0xb4: {  	v5 =	vld [tilespmem:s24+$0x19090];
	v0 =	vmul.f32 $8.000000000e+00, v0  }
0xb5: {  	v6 =	vld [tilespmem:s24+$0x190A0];
	v1 =	vmul.f32 $8.000000000e+00, v1  }
0xb6: {  	v7 =	vld [tilespmem:s24+$0x190B0];
	[tilespmem:s24+$0x19000] =	vst v0;
	v0 =	vmul.f32 $8.000000000e+00, v2  }
0xb7: {  	v8 =	vld [tilespmem:s24+$0x19100];
	[tilespmem:s24+$0x19010] =	vst v1;
	v1 =	vmul.f32 $8.000000000e+00, v3  }
0xb8: {  	v9 =	vld [tilespmem:s24+$0x19110];
	[tilespmem:s24+$0x19020] =	vst v0;
	v0 =	vmul.f32 $8.000000000e+00, v4  }
0xb9: {  	v2 =	vmul.f32 $8.000000000e+00, v5;
	[tilespmem:s24+$0x19030] =	vst v1;
	v1 =	vld [tilespmem:s24+$0x19120]  }
0xba: {  	v3 =	vmul.f32 $8.000000000e+00, v6;
	[tilespmem:s24+$0x19080] =	vst v0;
	v0 =	vld [tilespmem:s24+$0x19130]  }
0xbb: {  	[tilespmem:s24+$0x19090] =	vst v2;
	v2 =	vld [tilespmem:s24+$0x19180];
	v4 =	vmul.f32 $8.000000000e+00, v7  }
0xbc: {  	v6 =	vmul.f32 $8.000000000e+00, v8;
	[tilespmem:s24+$0x190A0] =	vst v3;
	v3 =	vld [tilespmem:s24+$0x19190]  }
0xbd: {  	s26 =	simm.s32 $0x800;
	v5 =	vmul.f32 $8.000000000e+00, v9;
	[tilespmem:s24+$0x190B0] =	vst v4;
	v4 =	vld [tilespmem:s24+$0x191A0]  }
.LBB2_9:
0xbe: {  	s28 =	sshra.s32 s26, $0x2;
	p0 =	sne.s32 s26, $0x18800;
	[tilespmem:s24+$0x19100] =	vst v6;
	v1 =	vmul.f32 $8.000000000e+00, v1;
	v6 =	vld [tilespmem:s24+$0x191B0]  }
0xbf: {  	v7 =	vld [tilespmem:s28+$0x19000];
	[tilespmem:s24+$0x19110] =	vst v5;
	v0 =	vmul.f32 $8.000000000e+00, v0  }
0xc0: {  	v5 =	vld [tilespmem:s28+$0x19010];
	[tilespmem:s24+$0x19120] =	vst v1;
	v1 =	vmul.f32 $8.000000000e+00, v2  }
0xc1: {  	v2 =	vld [tilespmem:s28+$0x19020];
	[tilespmem:s24+$0x19130] =	vst v0;
	v0 =	vmul.f32 $8.000000000e+00, v3  }
0xc2: {  	v3 =	vld [tilespmem:s28+$0x19030];
	[tilespmem:s24+$0x19180] =	vst v1;
	v1 =	vmul.f32 $8.000000000e+00, v4  }
0xc3: {  	v4 =	vld [tilespmem:s28+$0x19080];
	[tilespmem:s24+$0x19190] =	vst v0;
	v0 =	vmul.f32 $8.000000000e+00, v6  }
0xc4: {  	v6 =	vmul.f32 $8.000000000e+00, v7;
	v7 =	vld [tilespmem:s28+$0x19090];
	[tilespmem:s24+$0x191A0] =	vst v1  }
0xc5: {  	v1 =	vmul.f32 $8.000000000e+00, v5;
	v5 =	vld [tilespmem:s28+$0x190A0];
	[tilespmem:s24+$0x191B0] =	vst v0;
	s24 =	smov.u32 s28  }
0xc6: {  	[tilespmem:s24+$0x19000] =	vst v6;
	v0 =	vmul.f32 $8.000000000e+00, v2;
	v2 =	vld [tilespmem:s24+$0x190B0]  }
0xc7: {  	[tilespmem:s24+$0x19010] =	vst v1;
	v1 =	vmul.f32 $8.000000000e+00, v3;
	v3 =	vld [tilespmem:s24+$0x19100]  }
0xc8: {  	[tilespmem:s24+$0x19020] =	vst v0;
	v0 =	vmul.f32 $8.000000000e+00, v4;
	v4 =	vld [tilespmem:s24+$0x19110]  }
.Ltmp3:
0xc9: {  	[tilespmem:s24+$0x19030] =	vst v1;
	v6 =	vmul.f32 $8.000000000e+00, v7;
	v1 =	vld [tilespmem:s24+$0x19120];
	(pc) =	sbr.rel @p0 .LBB2_9-.Ltmp3, $4  }
0xca: {  	[tilespmem:s24+$0x19080] =	vst v0;
	v5 =	vmul.f32 $8.000000000e+00, v5;
	v0 =	vld [tilespmem:s24+$0x19130]  }
0xcb: {  	[tilespmem:s24+$0x19090] =	vst v6;
	v7 =	vmul.f32 $8.000000000e+00, v2;
	v2 =	vld [tilespmem:s24+$0x19180]  }
0xcc: {  	[tilespmem:s24+$0x190A0] =	vst v5;
	v6 =	vmul.f32 $8.000000000e+00, v3;
	v3 =	vld [tilespmem:s24+$0x19190]  }
0xcd: {  	s26 =	sadd.s32 $0x800, s26;
	[tilespmem:s24+$0x190B0] =	vst v7;
	v5 =	vmul.f32 $8.000000000e+00, v4;
	v4 =	vld [tilespmem:s24+$0x191A0]  }
0xce: {  	[tilespmem:s24+$0x19100] =	vst v6;
	v1 =	vmul.f32 $8.000000000e+00, v1;
	v59 =	vld [tilespmem:s24+$0x191B0]  }
0xcf: {  	[tilespmem:s24+$0x19110] =	vst v5;
	v0 =	vmul.f32 $8.000000000e+00, v0  }
0xd0: {  	s23 =	sadd.s32 $0x1, s23;
	[tilespmem:s24+$0x19120] =	vst v1;
	v60 =	vmul.f32 $8.000000000e+00, v2  }
0xd1: {  	p0 =	sne.s32 s23, $0x20;
	[tilespmem:s24+$0x19130] =	vst v0;
	v61 =	vmul.f32 $8.000000000e+00, v3  }
.Ltmp4:
0xd2: {  	s25 =	sadd.s32 s5, s25;
	[tilespmem:s24+$0x19180] =	vst v60;
	v62 =	vmul.f32 $8.000000000e+00, v4;
	(pc) =	sbr.rel @p0 .LBB2_2-.Ltmp4, $4  }
0xd3: {  	s25 =	smul.u32 $0xC80, s25;
	[tilespmem:s24+$0x19190] =	vst v61;
	v63 =	vmul.f32 $8.000000000e+00, v59  }
0xd4: {  	[tilespmem:s24+$0x191A0] =	vst v62  }
0xd5: {  	s31 =	sadd.s32 s4, s25;
	[tilespmem:s24+$0x191B0] =	vst v63  }
0xd6: {  	[hbm4b:s31+s2] =	stream.linear.scatter [tilespmem:s14], [sflag:$0x8], $0x6400, $0x38;
	[tilespmem:$0x1F400] =	vst v63  }
0xd7: {  	_ =	swait.ge [sflag:s18], $0x6400  }
0xd8: {  	[sflag:s18] =	ssyncset.done $0x0  }
0xd9: {  	[sflag:s18] =	ssyncadd.s32 $0xFFFF9C00  }
0xda: {  	_ =	swait.ge [sflag:s19], $0x6400  }
0xdb: {  	[sflag:s19] =	ssyncset.done $0x0  }
0xdc: {  	s22 =	sadd.s32 $0x1, s22;
	[sflag:s19] =	ssyncadd.s32 $0xFFFF9C00  }
0xdd: {  	p0 =	sne.s32 s22, s7;
	_ =	swait.ge [sflag:s20], $0x6400  }
.Ltmp5:
0xde: {  	[sflag:s20] =	ssyncset.done $0x0;
	(pc) =	sbr.rel @p0 .LBB2_1-.Ltmp5, $4  }
0xdf: {  	[sflag:s20] =	ssyncadd.s32 $0xFFFF9C00  }
0xe0: {  	_ =	swait.ge [sflag:s21], $0x6400  }
0xe1: {  	[sflag:s21] =	ssyncset.done $0x0  }
0xe2: {  	[sflag:s21] =	ssyncadd.s32 $0xFFFF9C00  }
0xe3: {  	_ =	sfence.sel $0x180000  }
0xe4: {  	[bflag:$0x0] =	sbarrier.arrive $0xFFFF  }
0xe5: {  	p0 =	sne.s32 s1, $0x0;
	_ =	strace $0x90000047  }
0xe6: {  	s0 =	sadd.s32 @!p0 $0x100000, s0;
	[bflag:$0x2] =	sbarrier.arrive $0xFFFF  }
0xe7: {  	[sflag:s0] =	ssyncadd.tile.s32 @!p0 $0x1;
	_ =	shalt  }
.Lfunc_end2:
_tile_overlayer_lowered:
.L_overlay_start_2:
0xe8: {  	(tag) =	ssettag $0x2  }
0xe9: {  	s0 =	rddreg [dreg:$0x0];
	s2 =	stileid.u32  }
0xea: {  	s1 =	rddreg [dreg:$0x1];
	p0 =	sne.s32 s2, $0x0  }
0xeb: {  	s3 =	rddreg [dreg:$0x2];
	[bflag:$0x3] =	sbarrier.arrive $0xFFFF;
	s2 =	simm.s32 @!p0 $0x1C09  }
0xec: {  	[timem:s3], [sflag:s2] =	dma.local @!p0 [hbm:s0], s1  }
0xed: {  	s0 =	simm.s32 @!p0 $0x9  }
0xee: {  	_ =	swait.ge @!p0 [sflag:s0], s1  }
0xef: {  	s1 =	ssub.s32 @!p0 $0x0, s1;
	[sflag:s0] =	ssyncset.done @!p0 $0x0  }
0xf0: {  	[sflag:s0] =	ssyncadd.s32 @!p0 s1  }
0xf1: {  	[bflag:$0x3] =	sbarrier.arrive $0xFFFF  }
0xf2: {  	_ =	shalt  }

// kernel: sparse-core-data-format-call.cloned.1.call-start
scs
called_computation_lowered:
.L_overlay_start_0:
0x0: {  	s2 =	sld [smem:$0x3FD9]  }
0x1: {  	s3 =	sld [smem:$0x3FFE];
	_ =	sdelay $0x1  }
0x2: {  	s1 =	srdreg.scid  }
0x3: {  	s0 =	sand.u32 $0x1, s1  }
0x4: {  	s18 =	sshll.u32 s0, $0xA;
	s2 =	sadd.s32 s3, s2  }
0x5: {  	s2 =	sadd.s32 s2, s18  }
0x6: {  	[smem:$0x3FC6] =	sst s2  }
0x7: {  	_ = 	snop  }
0x8: {  	s2 =	sld [smem:$0x3FD0];
	(tm) =	ssettm $0x1  }
0x9: {  	s19 =	sld [smem:$0x3FFB];
	_ =	sdelay $0x3  }
0xa: {  	_ =	strace s19  }
0xb: {  	s3 =	sld [smem:$0x3FFC];
	_ =	sdelay $0x3  }
0xc: {  	_ =	strace s3  }
0xd: {  	s3 =	sld [smem:$0x3FFD];
	_ =	sdelay $0x3  }
0xe: {  	_ =	strace s3  }
0xf: {  	_ =	strace $0x8FFFFFFF  }
0x10: {  	s20 =	sld [smem:$0x3FDB];
	_ =	sdelay $0x1  }
0x11: {  	s4 =	simm.s32 $_scs_section_size  }
0x12: {  	s5 =	simm.s32 $_size__tile_overlayer_lowered;
	s6 =	simm.s32 $_tile_overlayer_lowered  }
0x13: {  	s23 =	simm.s32 $0x1BFF;
	s22 =	sshll.u32 s6, $0x1;
	s3 =	sadd.s32 s4, s20  }
0x14: {  	s7 =	simm.s32 $0x0;
	s21 =	sshll.u32 s5, $0x1;
	s5 =	sadd.s32 s22, s3  }
0x15: {  	[timem:s7], [sflag:s23] =	dma.local [hbm:s5], s21  }
0x16: {  	_ =	swait.ge [sflag:s23], s21  }
0x17: {  	s4 =	ssub.s32 $0x0, s21;
	[sflag:s23] =	ssyncset.done $0x0  }
0x18: {  	[sflag:s23] =	ssyncadd.s32 s4;
	_ =	sdelay $0x1  }
0x19: {  	s24 =	simm.s32 $0x1B8B  }
0x1a: {  	_ =	swait.ge [sflag:s24], $0x1  }
0x1b: {  	[sflag:s24] =	ssyncset.done $0x0  }
0x1c: {  	s26 =	simm.s32 $0x1B8E;
	s25 =	sld [smem:$0x3FFE];
	[sflag:s24] =	ssyncadd.s32 $0xFFFFFFFF  }
0x1d: {  	s27 =	simm.s32 $execute0_lowered;
	[smem:$0x3FD2] =	sst s26  }
0x1e: {  	s5 =	sshll.u32 s27, $0x1;
	_ =	strace $0x80000049;
	[dreg:$0x1] =	wrdreg $0xFFFFFFFF  }
0x1f: {  	s28 =	simm.s32 $_size_execute0_lowered;
	s3 =	sadd.s32 s3, s5;
	[dreg:$0x0] =	wrdreg $0x0  }
0x20: {  	s5 =	sshll.u32 s28, $0x1;
	[dreg:$0x2] =	wrdreg s3  }
0x21: {  	[dreg:$0x3] =	wrdreg s5  }
0x22: {  	[dreg:$0x4] =	wrdreg $0xC0  }
0x23: {  	_ =	task [dreg:s7], $0x5FFFF  }
0x24: {  	[dreg:$0x1] =	wrdreg $0xFFFFFFFF  }
0x25: {  	[dreg:$0x0] =	wrdreg $0x60  }
0x26: {  	[dreg:$0x2] =	wrdreg s25  }
0x27: {  	[dreg:$0x3] =	wrdreg s2  }
0x28: {  	[dreg:$0x4] =	wrdreg $0x9  }
0x29: {  	_ =	task.clear_ibuf [dreg:s7], $0x5FFFF;
	_ =	strace $0x90000049  }
0x2a: {  	s29 =	simm.s32 $0x9;
	_ =	strace $0x8000004B  }
0x2b: {  	_ =	swait.ge [sflag:s29], $0x1  }
0x2c: {  	[sflag:s29] =	ssyncadd.s32 $0xFFFFFFFF  }
0x2d: {  	_ =	strace $0x9000004B  }
0x2e: {  	_ =	sfence  }
0x2f: {  	s30 =	sld [smem:$0x0];
	_ =	sdelay $0x2  }
0x30: {  	s31 =	sshll.u32 s1, $0xD;
	s1 =	sshrl.u32 s1, $0x2  }
0x31: {  	s3 =	sand.u32 $0x4000, s31;
	s1 =	sadd.s32 s1, s30  }
0x32: {  	s0 =	sor.u32 s3, s0;
	s1 =	sshll.u32 s1, $0x11  }
0x33: {  	s0 =	sor.u32 s1, s0  }
0x34: {  	s0 =	sadd.s32 $0x8F2B, s0  }
0x35: {  	[sflag:s0] =	ssyncadd.remote.s32 $0x1  }
0x36: {  	_ =	sfence.sel $0xFFFF  }
0x37: {  	[dreg:$0x0] =	wrdreg $0xFFFFFFFF;
	(pc) =	sbr.abs _section_cstart, $3  }
0x38: {  	[dreg:$0x1] =	wrdreg $0xFFFFFFFF  }
0x39: {  	_ =	task.clear_ibuf [dreg:s7], $0x2FFFF;
	_ =	strace $0x9FFFFFFF  }
0x3a: {  	(tm) =	ssettm $0x7FFFFFFF  }
0x3b: {  	_ =	shalt  }
tec
execute0_lowered:
.L_overlay_start_1:
0x0: {  	(tag) =	ssettag $0x1  }
0x1: {  	s0 =	srdreg.scid  }
0x2: {  	s1 =	sshll.u32 s0, $0x4  }
0x3: {  	s0 =	stileid.u32;
	s1 =	sand.u32 $0x10, s1  }
0x4: {  	s1 =	sor.u32 s0, s1  }
0x5: {  	s6 =	rddreg [dreg:$0x0];
	s4 =	simm.s32 $0x1;
	s2 =	sshll.u32 s1, $0x7  }
0x6: {  	s7 =	simm.s32 $0x2;
	s12 =	simm.s32 $0x0;
	s1 =	ssub.s32 $0x1000, s2  }
0x7: {  	s8 =	simm.s32 $0x8000;
	s13 =	simm.s32 $0x0;
	s3 =	sand.u32 $0xF80, s1  }
0x8: {  	s9 =	simm.s32 $0x0;
	s5 =	sshrl.u32 s1, $0xC;
	p0 =	sne.s32 s3, $0x0  }
.Ltmp0:
0x9: {  	s1 =	rddreg [dreg:$0x2];
	s4 =	simm.s32 @!p0 $0x0;
	(pc) =	sbr.rel .LBB1_1-.Ltmp0, $4  }
0xa: {  	s11 =	simm.s32 $0x0;
	s3 =	rddreg [dreg:$0x1];
	s5 =	sadd.s32 s4, s5  }
0xb: {  	_ =	strace $0x8000004A;
	s4 =	simm.s32 $0x1;
	s5 =	smul.u32 $0xC8, s5  }
0xc: {  	s6 =	sadd.s32 $0xA00, s6;
	s10 =	smov.u32 s2;
	[sflag:s4] =	ssyncpa.u1 $0x0  }
0xd: {  	p0 =	por $0x0, $0x0;
	[sflag:s7] =	ssyncpa.u1 $0x0;
	s7 =	sor.u32 $0x1, s5  }
.LBB1_4:
0xe: {  	s16 =	sshll.u32 s13, $0x3;
	s17 =	sand.u32 $0x78, s13  }
0xf: {  	s30 =	sand.u32 $0x7E00, s13;
	s12 =	sshll.u32 s12, $0xF;
	s16 =	sand.u32 $0xC00, s16  }
0x10: {  	[tilespmem:s15+$0x810 ss:$0x81] =	vst.msk $0xffff, v2;
	s31 =	sand.u32 $0x7, s13;
	s16 =	sor.u32 s17, s16;
	s17 =	sadd.s32 s3, s30  }
0x11: {  	[tilespmem:s15+$0x1020 ss:$0x81] =	vst.msk $0xffff, v0;
	s13 =	sshll.u32 s31, $0x12;
	s12 =	sadd.s32 s12, s17;
	s16 =	sshrl.u32 s16, $0x3  }
0x12: {  	[tilespmem:s15+$0x0 ss:$0x81] =	vst.msk $0xffff, v1;
	s13 =	sor.u32 $0x400, s13;
	s12 =	sadd.s32 s16, s12  }
0x13: {  	[hbm4b:s12+s13] =	stream.strided.scatter [tilespmem:s14], [sflag:$0x2], $0x2000, s8, s13, $0x20;
	[tilespmem:$0x8080] =	vst v63  }
.LBB1_5:
0x14: {  	s14 =	sadd.s32 $0x1, s9  }
0x15: {  	s12 =	sadd.s32 $0x1000, s10;
	s16 =	smov.u32 s10;
	p2 =	sgt.s32 s14, $0xC7  }
0x16: {  	s16 =	smov.u32 @p2 s12  }
0x17: {  	s14 =	simm.s32 @p2 $0x0;
	p2 =	sgt.s32 s16, $0xFFF  }
0x18: {  	s16 =	smov.u32 @p2 s2;
	p2 =	sne.s32 s11, s7  }
.Ltmp1:
0x19: {  	p1 =	slt.u32 s11, $0x2;
	(pc) =	sbr.rel @!p2 .LBB1_6-.Ltmp1, $4  }
0x1a: {  	s15 =	simm.s32 @!p1 $0x2  }
0x1b: {  	s13 =	smov.u32 s10;
	p0 =	por !p0, !p0;
	_ =	swait.ge @!p1 [sflag:s15], $0x2000  }
0x1c: {  	s12 =	smov.u32 s9;
	[sflag:s15] =	ssyncset.done @!p1 $0x0;
	s9 =	smov.u32 s14  }
0x1d: {  	s11 =	sadd.s32 $0x1, s11;
	[sflag:s15] =	ssyncadd.s32 @!p1 $0xFFFFE000;
	s10 =	smov.u32 s16  }
.LBB1_1:
0x1e: {  	p1 =	sge.u32 s11, s5  }
0x1f: {  	s14 =	sand.u32 @!p1 $0x1FFFFFF, s9  }
0x20: {  	s15 =	smulhi.u32 @!p1 $0x147AE15, s14;
	_ =	sdelay $0x1  }
0x21: {  	s15 =	smul.u32 @!p1 $0xC8, s15  }
0x22: {  	s16 =	sxor.u32 @!p1 $0xFFFFFFFF, s11;
	s17 =	smul.u32 @!p1 $0xC80, s10  }
0x23: {  	s31 =	sadd.s32 $0xFFFFFFFF, s11;
	s16 =	sshll.u32 @!p1 s16, $0xD;
	s14 =	ssub.s32 @!p1 s14, s15  }
0x24: {  	s15 =	sand.u32 @!p1 $0x2000, s16;
	s16 =	sadd.s32 @!p1 s6, s17;
	s14 =	sshll.u32 @!p1 s14, $0x4  }
0x25: {  	s17 =	simm.s32 @!p1 $0x6400;
	s14 =	sadd.s32 @!p1 s14, s16;
	s16 =	simm.s32 @!p1 $0x40  }
0x26: {  	[tilespmem:s15], [sflag:$0x1] =	stream.strided.gather @!p1 [hbm4b:s14+s16], $0x2000, s17, s16, $0x38;
	[tilespmem:$0x8080] =	vst v63  }
0x27: {  	p1 =	sge.u32 s31, s5  }
.Ltmp2:
0x28: {  	_ = 	snop;
	(pc) =	sbr.rel @p1 .LBB1_5-.Ltmp2, $1  }
0x29: {  	_ =	sdelay $0x3  }
0x2a: {  	s14 =	simm.s32 $0x1  }
0x2b: {  	_ =	swait.ge [sflag:s4], $0x2000;
	s14 =	simm.s32 @!p0 $0x0  }
0x2c: {  	[sflag:s4] =	ssyncset.done $0x0;
	s15 =	sshll.u32 s14, $0xD  }
0x2d: {  	[sflag:s4] =	ssyncadd.s32 $0xFFFFE000;
	s18 =	sor.u32 $0x20, s15  }
0x2e: {  	s14 =	smul.u32 $0x8100, s14;
	v3 =	vld [tilespmem:s18+$0x10]  }
0x2f: {  	s30 =	sand.u32 $0x1, s11;
	v2 =	vld [tilespmem:s18+$0xFFFFFFF0]  }
0x30: {  	s15 =	smul.u32 $0x8100, s30;
	s14 =	sshrl.u32 s14, $0x2;
	v0 =	vld [tilespmem:s18+$0x0]  }
0x31: {  	v1 =	vld [tilespmem:s18+$0xFFFFFFE0];
	s16 =	sor.u32 $0x4000, s14  }
0x32: {  	s31 =	sshrl.u32 s15, $0x2;
	s15 =	sadd.s32 $0x0, s16  }
0x33: {  	s17 =	simm.s32 $0x4;
	s18 =	sadd.s32 $0x40, s18;
	s14 =	sor.u32 $0x4000, s31;
	[tilespmem:s15+$0x1830 ss:$0x81] =	vst.msk $0xffff, v3  }
.LBB1_3:
0x34: {  	v3 =	vld [tilespmem:s18+$0x10];
	p1 =	sne.s32 s17, $0x1FC;
	[tilespmem:s15+$0x810 ss:$0x81] =	vst.msk $0xffff, v2;
	s19 =	smov.u32 s17;
	s17 =	sadd.s32 $0x4, s17  }
.Ltmp3:
0x35: {  	v2 =	vld [tilespmem:s18+$0xFFFFFFF0];
	[tilespmem:s15+$0x1020 ss:$0x81] =	vst.msk $0xffff, v0;
	(pc) =	sbr.rel @p1 .LBB1_3-.Ltmp3, $4  }
0x36: {  	v0 =	vld [tilespmem:s18+$0x0];
	[tilespmem:s15+$0x0 ss:$0x81] =	vst.msk $0xffff, v1  }
0x37: {  	s15 =	sshra.s32 s19, $0x2;
	v1 =	vld [tilespmem:s18+$0xFFFFFFE0]  }
0x38: {  	s15 =	sadd.s32 s15, s16  }
0x39: {  	s18 =	sadd.s32 $0x40, s18;
	[tilespmem:s15+$0x1830 ss:$0x81] =	vst.msk $0xffff, v3  }
.Ltmp4:
0x3a: {  	_ = 	snop;
	(pc) =	sbr.rel .LBB1_4-.Ltmp4, $1  }
0x3b: {  	_ =	sdelay $0x3  }
.LBB1_6:
0x3c: {  	_ =	sfence.sel $0x180000  }
0x3d: {  	s2 =	simm.s32 $0x1;
	[bflag:$0x0] =	sbarrier.arrive $0xFFFF  }
0x3e: {  	s31 =	simm.s32 $0x2;
	[sflag:s2] =	ssyncpa.u1 $0x1  }
0x3f: {  	[sflag:s31] =	ssyncpa.u1 $0x1  }
0x40: {  	p0 =	sne.s32 s0, $0x0;
	_ =	strace $0x9000004A  }
0x41: {  	s0 =	sadd.s32 @!p0 $0x100000, s1;
	[bflag:$0x2] =	sbarrier.arrive $0xFFFF  }
0x42: {  	[sflag:s0] =	ssyncadd.tile.s32 @!p0 $0x1;
	_ =	shalt  }
.Lfunc_end1:
_tile_overlayer_lowered:
.L_overlay_start_2:
0x43: {  	(tag) =	ssettag $0x2  }
0x44: {  	s0 =	rddreg [dreg:$0x0];
	s2 =	stileid.u32  }
0x45: {  	s1 =	rddreg [dreg:$0x1];
	p0 =	sne.s32 s2, $0x0  }
0x46: {  	s3 =	rddreg [dreg:$0x2];
	[bflag:$0x3] =	sbarrier.arrive $0xFFFF;
	s2 =	simm.s32 @!p0 $0x1C01  }
0x47: {  	[timem:s3], [sflag:s2] =	dma.local @!p0 [hbm:s0], s1  }
0x48: {  	s0 =	simm.s32 @!p0 $0x1  }
0x49: {  	_ =	swait.ge @!p0 [sflag:s0], s1  }
0x4a: {  	s1 =	ssub.s32 @!p0 $0x0, s1;
	[sflag:s0] =	ssyncset.done @!p0 $0x0  }
0x4b: {  	[sflag:s0] =	ssyncadd.s32 @!p0 s1  }
0x4c: {  	[bflag:$0x3] =	sbarrier.arrive $0xFFFF  }
0x4d: {  	_ =	shalt  }

</sc_bundles>
